<compile_context>
chip_gen: v7x
topology: tpu7x:2x2x1
jax: 0.10.2.dev20260603
libtpu: 0.0.44.dev20260713+nightly
codegen_flags: <defaults>
</compile_context>

<pallas_src>
import math

import jax
import jax.numpy as jnp
from jax import lax
from jax.experimental import pallas as pl
from jax.experimental.pallas import tpu as pltpu
from jax.experimental.pallas import tpu_sc as plsc

D = 128
HEADS = 8
P = 32
B, C, L = 8, 2048, 8
MAX_LIT = 256
EPS = 1e-5
VPAD = 264
T = 2 * VPAD


def _gelu(x):
    return 0.5 * x * (1.0 + lax.erf(x * (1.0 / math.sqrt(2.0))))


def _table_body(ve_ref, se_ref, w1_ref, b1_ref, w2_ref, b2_ref, out_ref):
    nt = (((1,), (1,)), ((), ()))
    ve = jnp.concatenate(
        [ve_ref[...], jnp.zeros((VPAD - (MAX_LIT + 1), D), jnp.float32)], axis=0)
    pv = lax.dot_general(ve, w1_ref[:, :D], nt, preferred_element_type=jnp.float32)
    ps = lax.dot_general(se_ref[...], w1_ref[:, D:], nt,
                         preferred_element_type=jnp.float32)
    for s in range(2):
        pre = pv + ps[s:s + 1, :] + b1_ref[...][None, :]
        h = _gelu(pre)
        out_ref[s * VPAD:(s + 1) * VPAD, :] = (
            lax.dot_general(h, w2_ref[...], nt, preferred_element_type=jnp.float32)
            + b2_ref[...][None, :]
        )


def _build_table(var_embed, sign_embed, w1, b1, w2, b2, interpret=False):
    return pl.pallas_call(
        _table_body,
        out_shape=jax.ShapeDtypeStruct((T, D), jnp.float32),
        interpret=interpret,
    )(var_embed, sign_embed, w1, b1, w2, b2)


def _attn_body(cs_ref, pq_ref, ip_ref, ipb_ref,
               cng_ref, cnb_ref, wo_ref, bo_ref, png_ref, pnb_ref, out_ref):
    dh = D // HEADS
    nt = (((1,), (1,)), ((), ()))
    cs = cs_ref[...] * (1.0 / L)
    mu = jnp.mean(cs, axis=-1, keepdims=True)
    var = jnp.mean((cs - mu) ** 2, axis=-1, keepdims=True)
    ce = ((cs - mu) * lax.rsqrt(var + EPS) * cng_ref[...][None, :]
          + cnb_ref[...][None, :])

    bf = jnp.bfloat16
    ceb = ce.astype(bf)
    ipb16 = ip_ref[...].astype(bf)
    k = (lax.dot_general(ceb, ipb16[D:2 * D], nt, preferred_element_type=jnp.float32)
         + ipb_ref[D:2 * D][None, :])
    v = (lax.dot_general(ceb, ipb16[2 * D:], nt, preferred_element_type=jnp.float32)
         + ipb_ref[2 * D:][None, :])
    pq = pq_ref[...]
    q = (lax.dot_general(pq, ip_ref[:D], nt, preferred_element_type=jnp.float32)
         + ipb_ref[:D][None, :])

    qe = jnp.broadcast_to(q[None], (HEADS, P, D)).reshape(HEADS * P, D)
    row = lax.broadcasted_iota(jnp.int32, (HEADS * P, D), 0)
    col = lax.broadcasted_iota(jnp.int32, (HEADS * P, D), 1)
    hm = ((col // dh) == (row // P)).astype(jnp.float32)
    qm = qe * hm

    scores = lax.dot_general(qm.astype(bf), k.astype(bf),
                             dimension_numbers=(((1,), (1,)), ((), ())),
                             preferred_element_type=jnp.float32)
    scores = scores * (1.0 / math.sqrt(dh))
    mx = jnp.max(scores, axis=-1, keepdims=True)
    e = jnp.exp(scores - mx)
    attn = e / jnp.sum(e, axis=-1, keepdims=True)

    ctxh = jnp.dot(attn.astype(bf), v.astype(bf),
                   preferred_element_type=jnp.float32)
    ctx = jnp.sum((ctxh * hm).reshape(HEADS, P, D), axis=0)

    refined = (lax.dot_general(ctx, wo_ref[...], nt,
                               preferred_element_type=jnp.float32)
               + bo_ref[...][None, :])
    x = pq + refined
    mu2 = jnp.mean(x, axis=-1, keepdims=True)
    var2 = jnp.mean((x - mu2) ** 2, axis=-1, keepdims=True)
    out_ref[0] = ((x - mu2) * lax.rsqrt(var2 + EPS) * png_ref[...][None, :]
                  + pnb_ref[...][None, :])


def _attention(clause_sum, pq, in_proj_w, in_proj_b, cn_g, cn_b,
               out_proj_w, out_proj_b, pn_g, pn_b, interpret=False):
    rep = pl.BlockSpec(None, lambda b: (0,) * 2)
    rep1 = pl.BlockSpec(None, lambda b: (0,))
    nb = clause_sum.shape[0] // C
    return pl.pallas_call(
        _attn_body,
        grid=(nb,),
        in_specs=[
            pl.BlockSpec((C, D), lambda b: (b, 0)),
            rep, rep, rep1, rep1, rep1, rep, rep1, rep1, rep1,
        ],
        out_specs=pl.BlockSpec((1, P, D), lambda b: (b, 0, 0)),
        out_shape=jax.ShapeDtypeStruct((nb, P, D), jnp.float32),
        interpret=interpret,
    )(clause_sum, pq, in_proj_w, in_proj_b, cn_g, cn_b,
      out_proj_w, out_proj_b, pn_g, pn_b)


NW = 32
SC_CL = B * C // 4
NCL_W = SC_CL // NW
NLIT_W = NCL_W * L
CHW = 128
NCH = NLIT_W // CHW
NBUF = 4
HCL = NCL_W // 2


def _sc_body(cl_hbm, table_hbm, zeros_hbm, out_hbm, cl_v, dst_v, rows_v, acc_sh, *sems):
    cid = lax.axis_index("c")
    sid = lax.axis_index("s")
    wid = sid * 2 + cid
    pltpu.sync_copy(cl_hbm.at[wid], cl_v)
    pltpu.sync_copy(zeros_hbm, acc_sh.at[pl.ds(sid * HCL, HCL)])

    def prep(i, carry):
        io = lax.iota(jnp.int32, 16)
        x = cl_v[pl.ds(i * 16, 16)]
        lit = jnp.minimum(jnp.abs(x), MAX_LIT)
        comb = jnp.where(x > 0, lit + VPAD, lit)
        cl_v[pl.ds(i * 16, 16)] = comb
        r = i >> 3
        c8 = i & 7
        local = r * 16 + 2 * c8
        dst_v[r, pl.ds(c8 * 16, 16)] = (sid * HCL + local - (local & HCL)
                                        + lax.shift_right_arithmetic(io, 3))
        return carry

    lax.fori_loop(0, NLIT_W // 16, prep, 0)

    hch = NCH // 2
    for half in range(2):
        j0 = half * hch
        descs = [None] * hch
        for j in range(NBUF):
            descs[j] = pltpu.async_copy(
                table_hbm.at[cl_v.at[pl.ds((j0 + j) * CHW, CHW)]],
                rows_v.at[j], sems[j])
        for j in range(hch):
            b = j % NBUF
            descs[j].wait()
            pltpu.sync_copy(rows_v.at[b], acc_sh.at[dst_v.at[j0 + j]], add=True)
            if j + NBUF < hch:
                descs[j + NBUF] = pltpu.async_copy(
                    table_hbm.at[cl_v.at[pl.ds((j0 + j + NBUF) * CHW, CHW)]],
                    rows_v.at[b], sems[b])
        pltpu.sync_copy(acc_sh.at[pl.ds(sid * HCL, HCL)],
                        out_hbm.at[pl.ds(wid * NCL_W + half * HCL, HCL)])
        if half == 0:
            pltpu.sync_copy(zeros_hbm, acc_sh.at[pl.ds(sid * HCL, HCL)])


def _gather_mean(clauses_flat, table):
    cl2 = clauses_flat.reshape(NW, NLIT_W)
    zeros = jnp.zeros((HCL, D), jnp.float32)
    mesh = plsc.VectorSubcoreMesh(core_axis_name="c", subcore_axis_name="s")
    f = pl.kernel(
        _sc_body,
        out_type=jax.ShapeDtypeStruct((SC_CL, D), jnp.float32),
        mesh=mesh,
        scratch_types=[
            pltpu.VMEM((NLIT_W,), jnp.int32),
            pltpu.VMEM((NCH, CHW), jnp.int32),
            pltpu.VMEM((NBUF, CHW, D), jnp.float32),
            pltpu.VMEM_SHARED((16 * HCL, D), jnp.float32),
        ] + [pltpu.SemaphoreType.DMA] * NBUF,
    )
    return f(cl2, table, zeros)


TC_BLK = 1024


def _counts_body(idx_ref, table_ref, out_ref):
    idx = idx_ref[...]
    lit = jnp.minimum(jnp.abs(idx), MAX_LIT)
    comb = jnp.where(idx > 0, lit + VPAD, lit)
    tr = lax.broadcasted_iota(jnp.int32, (1, T), 1)
    counts = jnp.zeros((TC_BLK, T), jnp.float32)
    for l in range(L):
        counts = counts + (comb[:, l:l + 1] == tr).astype(jnp.float32)
    out_ref[...] = jnp.dot(counts.astype(jnp.bfloat16),
                           table_ref[...].astype(jnp.bfloat16),
                           preferred_element_type=jnp.float32)


def _counts_mean(clauses_half, table, interpret=False):
    n = clauses_half.shape[0]
    return pl.pallas_call(
        _counts_body,
        grid=(n // TC_BLK,),
        in_specs=[
            pl.BlockSpec((TC_BLK, L), lambda b: (b, 0)),
            pl.BlockSpec(None, lambda b: (0, 0)),
        ],
        out_specs=pl.BlockSpec((TC_BLK, D), lambda b: (b, 0)),
        out_shape=jax.ShapeDtypeStruct((n, D), jnp.float32),
        interpret=interpret,
    )(clauses_half, table)


def kernel(clauses_batch, var_embed, sign_embed, lin1_W, lin1_b, lin2_W, lin2_b,
           cn_g, cn_b, prefix_queries, in_proj_w, in_proj_b, out_proj_w,
           out_proj_b, pn_g, pn_b, _interpret=False):
    table = _build_table(var_embed, sign_embed, lin1_W, lin1_b, lin2_W, lin2_b,
                         interpret=_interpret)

    clauses_flat = clauses_batch.reshape(B * C * L)
    tc_cl = B * C - SC_CL
    tc_sum = _counts_mean(clauses_flat[:tc_cl * L].reshape(tc_cl, L), table,
                          interpret=_interpret)
    sc_sum = _gather_mean(clauses_flat[tc_cl * L:], table)

    args = (prefix_queries, in_proj_w, in_proj_b, cn_g, cn_b,
            out_proj_w, out_proj_b, pn_g, pn_b)
    out_tc = _attention(tc_sum, *args, interpret=_interpret)
    out_sc = _attention(sc_sum, *args, interpret=_interpret)
    return jnp.concatenate([out_tc, out_sc], axis=0)

# --- scband reference (transcript-rebuilt; emitter-appended) ---
"""Pipeline reference for scband-cnfadapter-65025804861678 (READ-ONLY COPY).

The authoritative reference and input builder live on the scoring server;
editing this copy changes nothing except your own understanding.
"""

import jax, jax.numpy as jnp
import numpy as np

D = 128
HEADS = 8
P = 32
B, C, L = 8, 2048, 8
MAX_LIT = 256
EPS = 1e-5


def layernorm(x, g, b):
    mu = jnp.mean(x, axis=-1, keepdims=True)
    var = jnp.var(x, axis=-1, keepdims=True)
    return (x - mu) / jnp.sqrt(var + EPS) * g + b


def setup_inputs(seed: int = 0):
    key = jax.random.key(seed)
    ks = jax.random.split(key, 12)
    inp = {}
    inp["clauses_batch"] = jax.random.randint(ks[0], (B, C, L), 0, MAX_LIT)
    inp["var_embed"] = jax.random.normal(ks[1], (MAX_LIT + 1, D), jnp.float32)
    inp["sign_embed"] = jax.random.normal(ks[2], (2, D), jnp.float32)
    inp["lin1_W"] = jax.random.normal(ks[3], (D, 2 * D), jnp.float32) * (1.0 / np.sqrt(2 * D))
    inp["lin1_b"] = jnp.zeros((D,), jnp.float32)
    inp["lin2_W"] = jax.random.normal(ks[4], (D, D), jnp.float32) * (1.0 / np.sqrt(D))
    inp["lin2_b"] = jnp.zeros((D,), jnp.float32)
    inp["cn_g"] = jnp.ones((D,), jnp.float32)
    inp["cn_b"] = jnp.zeros((D,), jnp.float32)
    inp["prefix_queries"] = jax.random.normal(ks[5], (P, D), jnp.float32) * 0.02
    inp["in_proj_w"] = jax.random.normal(ks[6], (3 * D, D), jnp.float32) * (1.0 / np.sqrt(D))
    inp["in_proj_b"] = jnp.zeros((3 * D,), jnp.float32)
    inp["out_proj_w"] = jax.random.normal(ks[7], (D, D), jnp.float32) * (1.0 / np.sqrt(D))
    inp["out_proj_b"] = jnp.zeros((D,), jnp.float32)
    inp["pn_g"] = jnp.ones((D,), jnp.float32)
    inp["pn_b"] = jnp.zeros((D,), jnp.float32)
    return inp


def reference(clauses_batch, var_embed, sign_embed, lin1_W, lin1_b, lin2_W, lin2_b, cn_g, cn_b, prefix_queries, in_proj_w, in_proj_b, out_proj_w, out_proj_b, pn_g, pn_b):
    b = clauses_batch.shape[0]
    lits = jnp.minimum(jnp.abs(clauses_batch), MAX_LIT)
    signs = (clauses_batch > 0).astype(jnp.int32)
    lit_repr = jnp.concatenate([jnp.take(var_embed, lits, axis=0), jnp.take(sign_embed, signs, axis=0)], axis=-1)
    h = jax.nn.gelu(lit_repr @ lin1_W.T + lin1_b, approximate=False)
    h = h @ lin2_W.T + lin2_b
    clause_repr = jnp.mean(h, axis=2)
    ce = layernorm(clause_repr, cn_g, cn_b)
    mask = jnp.ones((b, clauses_batch.shape[1]), jnp.float32)
    queries = jnp.broadcast_to(prefix_queries[None, :, :], (b, P, D))
    W_q, W_k, W_v = in_proj_w[:D], in_proj_w[D:2 * D], in_proj_w[2 * D:]
    b_q, b_k, b_v = in_proj_b[:D], in_proj_b[D:2 * D], in_proj_b[2 * D:]
    dh = D // HEADS

    def split_heads(x):
        return x.reshape(x.shape[0], x.shape[1], HEADS, dh).transpose(0, 2, 1, 3)

    q = split_heads(queries @ W_q.T + b_q)
    k = split_heads(ce @ W_k.T + b_k)
    v = split_heads(ce @ W_v.T + b_v)
    scores = (q @ k.transpose(0, 1, 3, 2)) / np.sqrt(dh)
    scores = jnp.where((mask == 0)[:, None, None, :], -1e30, scores)
    attn = jax.nn.softmax(scores, axis=-1)
    ctx = (attn @ v).transpose(0, 2, 1, 3).reshape(b, P, D)
    refined = ctx @ out_proj_w.T + out_proj_b
    return layernorm(queries + refined, pn_g, pn_b)

if __name__ == "__main__":
    import jax
    _d = setup_inputs()
    print(jax.jit(kernel)(*tuple(_d.values())))

</pallas_src>

<mosaic_0001>
#map = affine_map<(d0, d1) -> (0, 0)>
module attributes {stable_mosaic.version = 14 : i64} {
  func.func @_sc_body(%arg0: i32, %arg1: i32, %arg2: memref<32x1024xi32, #tpu.memory_space<hbm>>, %arg3: memref<528x128xf32, #tpu.memory_space<hbm>>, %arg4: memref<64x128xf32, #tpu.memory_space<hbm>>, %arg5: memref<4096x128xf32, #tpu.memory_space<hbm>>, %arg6: memref<1024xi32, #tpu.memory_space<vmem>>, %arg7: memref<8x128xi32, #tpu.memory_space<vmem>>, %arg8: memref<4x128x128xf32, #tpu.memory_space<vmem>>, %arg9: memref<1024x128xf32, #tpu.memory_space<vmem_shared>>, %arg10: memref<!tpu.dma_semaphore, #tpu.memory_space<semaphore_mem>>, %arg11: memref<!tpu.dma_semaphore, #tpu.memory_space<semaphore_mem>>, %arg12: memref<!tpu.dma_semaphore, #tpu.memory_space<semaphore_mem>>, %arg13: memref<!tpu.dma_semaphore, #tpu.memory_space<semaphore_mem>>) attributes {dimension_semantics = [#tpu.dimension_semantics<core_parallel>, #tpu.dimension_semantics<subcore_parallel>], iteration_bounds = array<i64: 2, 16>, scalar_prefetch = 0 : i64, scratch_operands = 8 : i64, tpu.core_type = #tpu.core_type<sc_vector_subcore>, window_params = [{transform_indices = #map}, {transform_indices = #map}, {transform_indices = #map}, {transform_indices = #map}]} {
    %mul3A = arith.constant 2 : i32
    %mul3A_0 = arith.muli %arg1, %mul3A : i32
    %add3A = arith.addi %mul3A_0, %arg0 : i32
    "tpu.region"() ({
      %run_scoped3A_195 = tpu.sem_alloc : memref<!tpu.dma_semaphore, #tpu.memory_space<semaphore_mem>>
      %dma_start3A_196 = arith.constant 0 : i32
      %dma_start3A_197 = tpu.memref_slice %arg2[%add3A, %dma_start3A_196] : memref<32x1024xi32, #tpu.memory_space<hbm>> -> memref<1x1024xi32, #tpu.memory_space<hbm>>
      %dma_start3A_198 = tpu.memref_squeeze %dma_start3A_197 : memref<1x1024xi32, #tpu.memory_space<hbm>> -> memref<1024xi32, #tpu.memory_space<hbm>>
      %dma_start3A_199 = arith.constant 0 : i32
      %dma_start3A_200 = tpu.memref_slice %arg2[%add3A, %dma_start3A_199] : memref<32x1024xi32, #tpu.memory_space<hbm>> -> memref<1x1024xi32, #tpu.memory_space<hbm>>
      %dma_start3A_201 = tpu.memref_squeeze %dma_start3A_200 : memref<1x1024xi32, #tpu.memory_space<hbm>> -> memref<1024xi32, #tpu.memory_space<hbm>>
      tpu.enqueue_dma source(%dma_start3A_201 : memref<1024xi32, #tpu.memory_space<hbm>>) target(%arg6 : memref<1024xi32, #tpu.memory_space<vmem>>) target_semaphore(%run_scoped3A_195 : memref<!tpu.dma_semaphore, #tpu.memory_space<semaphore_mem>>)
      %dma_wait3A_202 = arith.constant 0 : i32
      %dma_wait3A_203 = tpu.memref_slice %arg2[%add3A, %dma_wait3A_202] : memref<32x1024xi32, #tpu.memory_space<hbm>> -> memref<1x1024xi32, #tpu.memory_space<hbm>>
      %dma_wait3A_204 = tpu.memref_squeeze %dma_wait3A_203 : memref<1x1024xi32, #tpu.memory_space<hbm>> -> memref<1024xi32, #tpu.memory_space<hbm>>
      %dma_wait3A_205 = arith.constant 0 : i32
      %dma_wait3A_206 = tpu.memref_slice %arg2[%add3A, %dma_wait3A_205] : memref<32x1024xi32, #tpu.memory_space<hbm>> -> memref<1x1024xi32, #tpu.memory_space<hbm>>
      %dma_wait3A_207 = tpu.memref_squeeze %dma_wait3A_206 : memref<1x1024xi32, #tpu.memory_space<hbm>> -> memref<1024xi32, #tpu.memory_space<hbm>>
      tpu.wait_dma2 semaphore(%run_scoped3A_195 : memref<!tpu.dma_semaphore, #tpu.memory_space<semaphore_mem>>) src(%dma_wait3A_207 : memref<1024xi32, #tpu.memory_space<hbm>>) dst(%arg6 : memref<1024xi32, #tpu.memory_space<vmem>>)
      tpu.yield
    }) : () -> ()
    %mul3A_1 = arith.constant 64 : i32
    %mul3A_2 = arith.muli %arg1, %mul3A_1 : i32
    "tpu.region"() ({
      %run_scoped3A_195 = tpu.sem_alloc : memref<!tpu.dma_semaphore, #tpu.memory_space<semaphore_mem>>
      %dma_start3A_196 = arith.constant 0 : i32
      %dma_start3A_197 = tpu.memref_slice %arg9[%mul3A_2, %dma_start3A_196] : memref<1024x128xf32, #tpu.memory_space<vmem_shared>> -> memref<64x128xf32, #tpu.memory_space<vmem_shared>>
      tpu.enqueue_dma source(%arg4 : memref<64x128xf32, #tpu.memory_space<hbm>>) target(%dma_start3A_197 : memref<64x128xf32, #tpu.memory_space<vmem_shared>>) target_semaphore(%run_scoped3A_195 : memref<!tpu.dma_semaphore, #tpu.memory_space<semaphore_mem>>)
      %dma_wait3A_198 = arith.constant 0 : i32
      %dma_wait3A_199 = tpu.memref_slice %arg9[%mul3A_2, %dma_wait3A_198] : memref<1024x128xf32, #tpu.memory_space<vmem_shared>> -> memref<64x128xf32, #tpu.memory_space<vmem_shared>>
      tpu.wait_dma2 semaphore(%run_scoped3A_195 : memref<!tpu.dma_semaphore, #tpu.memory_space<semaphore_mem>>) src(%arg4 : memref<64x128xf32, #tpu.memory_space<hbm>>) dst(%dma_wait3A_199 : memref<64x128xf32, #tpu.memory_space<vmem_shared>>)
      tpu.yield
    }) : () -> ()
    %scan3A = arith.constant 0 : i32
    %scan3A_3 = arith.constant 0 : i32
    %scan3A_4 = arith.constant 64 : i32
    %scan3A_5 = arith.addi %scan3A_3, %scan3A_4 : i32
    %scan3A_6 = arith.constant 1 : i32
    scf.for %scan3A_195 = %scan3A_3 to %scan3A_5 step %scan3A_6  : i32 {
      %iota3A = tpu.iota {dimensions = array<i32: 0>} : vector<16xi32>
      %mul3A_196 = arith.constant 16 : i32
      %mul3A_197 = arith.muli %scan3A_195, %mul3A_196 : i32
      %get3A = arith.index_cast %mul3A_197 : i32 to index
      %get3A_198 = tpu.vector_load %arg6[%get3A] {strides = array<i32>} : memref<1024xi32, #tpu.memory_space<vmem>>, vector<16xi32>,
      %get3A_199 = vector.shape_cast %get3A_198 : vector<16xi32> to vector<16xi32>
      %abs3A = math.absi %get3A_199 : vector<16xi32>
      %min3A = arith.constant 256 : i32
      %min3A_200 = vector.broadcast %min3A : i32 to vector<16xi32>
      %min3A_201 = arith.minsi %abs3A, %min3A_200 : vector<16xi32>
      %gt3A = arith.constant 0 : i32
      %gt3A_202 = vector.broadcast %gt3A : i32 to vector<16xi32>
      %gt3A_203 = arith.cmpi sgt, %get3A_199, %gt3A_202 : vector<16xi32>
      %add3A_204 = arith.constant 264 : i32
      %add3A_205 = vector.broadcast %add3A_204 : i32 to vector<16xi32>
      %add3A_206 = arith.addi %min3A_201, %add3A_205 : vector<16xi32>
      %select_n3A = arith.select %gt3A_203, %add3A_206, %min3A_201 : vector<16xi1>, vector<16xi32>
      %mul3A_207 = arith.constant 16 : i32
      %mul3A_208 = arith.muli %scan3A_195, %mul3A_207 : i32
      %swap3A = arith.index_cast %mul3A_208 : i32 to index
      %swap3A_209 = tpu.vector_load %arg6[%swap3A] {strides = array<i32>} : memref<1024xi32, #tpu.memory_space<vmem>>, vector<16xi32>,
      %swap3A_210 = vector.shape_cast %swap3A_209 : vector<16xi32> to vector<16xi32>
      %swap3A_211 = vector.shape_cast %select_n3A : vector<16xi32> to vector<16xi32>
      tpu.vector_store %arg6[%swap3A], %swap3A_211 {strides = array<i32>} : memref<1024xi32, #tpu.memory_space<vmem>>, vector<16xi32>,
      %shift_right_arithmetic3A = arith.constant 3 : i32
      %shift_right_arithmetic3A_212 = arith.shrsi %scan3A_195, %shift_right_arithmetic3A : i32
      %and3A = arith.constant 7 : i32
      %and3A_213 = arith.andi %scan3A_195, %and3A : i32
      %mul3A_214 = arith.constant 16 : i32
      %mul3A_215 = arith.muli %shift_right_arithmetic3A_212, %mul3A_214 : i32
      %mul3A_216 = arith.constant 2 : i32
      %mul3A_217 = arith.muli %mul3A_216, %and3A_213 : i32
      %add3A_218 = arith.addi %mul3A_215, %mul3A_217 : i32
      %mul3A_219 = arith.constant 64 : i32
      %mul3A_220 = arith.muli %arg1, %mul3A_219 : i32
      %add3A_221 = arith.addi %mul3A_220, %add3A_218 : i32
      %and3A_222 = arith.constant 64 : i32
      %and3A_223 = arith.andi %add3A_218, %and3A_222 : i32
      %sub3A = arith.subi %add3A_221, %and3A_223 : i32
      %shift_right_arithmetic3A_224 = arith.constant 3 : i32
      %shift_right_arithmetic3A_225 = vector.broadcast %shift_right_arithmetic3A_224 : i32 to vector<16xi32>
      %shift_right_arithmetic3A_226 = arith.shrsi %iota3A, %shift_right_arithmetic3A_225 : vector<16xi32>
      %add3A_227 = vector.broadcast %sub3A : i32 to vector<16xi32>
      %add3A_228 = arith.addi %add3A_227, %shift_right_arithmetic3A_226 : vector<16xi32>
      %mul3A_229 = arith.constant 16 : i32
      %mul3A_230 = arith.muli %and3A_213, %mul3A_229 : i32
      %swap3A_231 = arith.index_cast %shift_right_arithmetic3A_212 : i32 to index
      %swap3A_232 = arith.index_cast %mul3A_230 : i32 to index
      %swap3A_233 = tpu.vector_load %arg7[%swap3A_231, %swap3A_232] {strides = array<i32>} : memref<8x128xi32, #tpu.memory_space<vmem>>, vector<1x16xi32>,
      %swap3A_234 = vector.shape_cast %swap3A_233 : vector<1x16xi32> to vector<16xi32>
      %swap3A_235 = vector.shape_cast %add3A_228 : vector<16xi32> to vector<1x16xi32>
      tpu.vector_store %arg7[%swap3A_231, %swap3A_232], %swap3A_235 {strides = array<i32>} : memref<8x128xi32, #tpu.memory_space<vmem>>, vector<1x16xi32>,
    }
    %scan3A_7 = arith.constant 64 : i32
    %dma_start3A = arith.constant 0 : i32
    %dma_start3A_8 = arith.constant 0 : i32
    %dma_start3A_9 = arith.constant 0 : i32
    %dma_start3A_10 = tpu.memref_slice %arg8[%dma_start3A, %dma_start3A_8, %dma_start3A_9] : memref<4x128x128xf32, #tpu.memory_space<vmem>> -> memref<1x128x128xf32, #tpu.memory_space<vmem>>
    %dma_start3A_11 = tpu.memref_squeeze %dma_start3A_10 : memref<1x128x128xf32, #tpu.memory_space<vmem>> -> memref<128x128xf32, #tpu.memory_space<vmem>>
    %dma_start3A_12 = arith.constant 0 : i32
    %dma_start3A_13 = tpu.memref_slice %arg6[%dma_start3A_12] : memref<1024xi32, #tpu.memory_space<vmem>> -> memref<128xi32, #tpu.memory_space<vmem>>
    %dma_start3A_14 = arith.constant 0 : i32
    %dma_start3A_15 = arith.constant 0 : i32
    %dma_start3A_16 = tpu.memref_slice %arg3[%dma_start3A_14, %dma_start3A_15] : memref<528x128xf32, #tpu.memory_space<hbm>> -> memref<528x128xf32, #tpu.memory_space<hbm>>
    tpu.enqueue_indirect_dma source(%dma_start3A_16 : memref<528x128xf32, #tpu.memory_space<hbm>>) target(%dma_start3A_11 : memref<128x128xf32, #tpu.memory_space<vmem>>) offsets(%dma_start3A_13 : memref<128xi32, #tpu.memory_space<vmem>>) semaphore(%arg10 : memref<!tpu.dma_semaphore, #tpu.memory_space<semaphore_mem>>)
    %dma_start3A_17 = arith.constant 1 : i32
    %dma_start3A_18 = arith.constant 0 : i32
    %dma_start3A_19 = arith.constant 0 : i32
    %dma_start3A_20 = tpu.memref_slice %arg8[%dma_start3A_17, %dma_start3A_18, %dma_start3A_19] : memref<4x128x128xf32, #tpu.memory_space<vmem>> -> memref<1x128x128xf32, #tpu.memory_space<vmem>>
    %dma_start3A_21 = tpu.memref_squeeze %dma_start3A_20 : memref<1x128x128xf32, #tpu.memory_space<vmem>> -> memref<128x128xf32, #tpu.memory_space<vmem>>
    %dma_start3A_22 = arith.constant 128 : i32
    %dma_start3A_23 = tpu.memref_slice %arg6[%dma_start3A_22] : memref<1024xi32, #tpu.memory_space<vmem>> -> memref<128xi32, #tpu.memory_space<vmem>>
    %dma_start3A_24 = arith.constant 0 : i32
    %dma_start3A_25 = arith.constant 0 : i32
    %dma_start3A_26 = tpu.memref_slice %arg3[%dma_start3A_24, %dma_start3A_25] : memref<528x128xf32, #tpu.memory_space<hbm>> -> memref<528x128xf32, #tpu.memory_space<hbm>>
    tpu.enqueue_indirect_dma source(%dma_start3A_26 : memref<528x128xf32, #tpu.memory_space<hbm>>) target(%dma_start3A_21 : memref<128x128xf32, #tpu.memory_space<vmem>>) offsets(%dma_start3A_23 : memref<128xi32, #tpu.memory_space<vmem>>) semaphore(%arg11 : memref<!tpu.dma_semaphore, #tpu.memory_space<semaphore_mem>>)
    %dma_start3A_27 = arith.constant 2 : i32
    %dma_start3A_28 = arith.constant 0 : i32
    %dma_start3A_29 = arith.constant 0 : i32
    %dma_start3A_30 = tpu.memref_slice %arg8[%dma_start3A_27, %dma_start3A_28, %dma_start3A_29] : memref<4x128x128xf32, #tpu.memory_space<vmem>> -> memref<1x128x128xf32, #tpu.memory_space<vmem>>
    %dma_start3A_31 = tpu.memref_squeeze %dma_start3A_30 : memref<1x128x128xf32, #tpu.memory_space<vmem>> -> memref<128x128xf32, #tpu.memory_space<vmem>>
    %dma_start3A_32 = arith.constant 256 : i32
    %dma_start3A_33 = tpu.memref_slice %arg6[%dma_start3A_32] : memref<1024xi32, #tpu.memory_space<vmem>> -> memref<128xi32, #tpu.memory_space<vmem>>
    %dma_start3A_34 = arith.constant 0 : i32
    %dma_start3A_35 = arith.constant 0 : i32
    %dma_start3A_36 = tpu.memref_slice %arg3[%dma_start3A_34, %dma_start3A_35] : memref<528x128xf32, #tpu.memory_space<hbm>> -> memref<528x128xf32, #tpu.memory_space<hbm>>
    tpu.enqueue_indirect_dma source(%dma_start3A_36 : memref<528x128xf32, #tpu.memory_space<hbm>>) target(%dma_start3A_31 : memref<128x128xf32, #tpu.memory_space<vmem>>) offsets(%dma_start3A_33 : memref<128xi32, #tpu.memory_space<vmem>>) semaphore(%arg12 : memref<!tpu.dma_semaphore, #tpu.memory_space<semaphore_mem>>)
    %dma_start3A_37 = arith.constant 3 : i32
    %dma_start3A_38 = arith.constant 0 : i32
    %dma_start3A_39 = arith.constant 0 : i32
    %dma_start3A_40 = tpu.memref_slice %arg8[%dma_start3A_37, %dma_start3A_38, %dma_start3A_39] : memref<4x128x128xf32, #tpu.memory_space<vmem>> -> memref<1x128x128xf32, #tpu.memory_space<vmem>>
    %dma_start3A_41 = tpu.memref_squeeze %dma_start3A_40 : memref<1x128x128xf32, #tpu.memory_space<vmem>> -> memref<128x128xf32, #tpu.memory_space<vmem>>
    %dma_start3A_42 = arith.constant 384 : i32
    %dma_start3A_43 = tpu.memref_slice %arg6[%dma_start3A_42] : memref<1024xi32, #tpu.memory_space<vmem>> -> memref<128xi32, #tpu.memory_space<vmem>>
    %dma_start3A_44 = arith.constant 0 : i32
    %dma_start3A_45 = arith.constant 0 : i32
    %dma_start3A_46 = tpu.memref_slice %arg3[%dma_start3A_44, %dma_start3A_45] : memref<528x128xf32, #tpu.memory_space<hbm>> -> memref<528x128xf32, #tpu.memory_space<hbm>>
    tpu.enqueue_indirect_dma source(%dma_start3A_46 : memref<528x128xf32, #tpu.memory_space<hbm>>) target(%dma_start3A_41 : memref<128x128xf32, #tpu.memory_space<vmem>>) offsets(%dma_start3A_43 : memref<128xi32, #tpu.memory_space<vmem>>) semaphore(%arg13 : memref<!tpu.dma_semaphore, #tpu.memory_space<semaphore_mem>>)
    %dma_wait3A = arith.constant 0 : i32
    %dma_wait3A_47 = arith.constant 0 : i32
    %dma_wait3A_48 = arith.constant 0 : i32
    %dma_wait3A_49 = tpu.memref_slice %arg8[%dma_wait3A, %dma_wait3A_47, %dma_wait3A_48] : memref<4x128x128xf32, #tpu.memory_space<vmem>> -> memref<1x128x128xf32, #tpu.memory_space<vmem>>
    %dma_wait3A_50 = tpu.memref_squeeze %dma_wait3A_49 : memref<1x128x128xf32, #tpu.memory_space<vmem>> -> memref<128x128xf32, #tpu.memory_space<vmem>>
    %dma_wait3A_51 = arith.constant 0 : i32
    %dma_wait3A_52 = tpu.memref_slice %arg6[%dma_wait3A_51] : memref<1024xi32, #tpu.memory_space<vmem>> -> memref<128xi32, #tpu.memory_space<vmem>>
    %dma_wait3A_53 = arith.constant 0 : i32
    %dma_wait3A_54 = arith.constant 0 : i32
    %dma_wait3A_55 = tpu.memref_slice %arg3[%dma_wait3A_53, %dma_wait3A_54] : memref<528x128xf32, #tpu.memory_space<hbm>> -> memref<528x128xf32, #tpu.memory_space<hbm>>
    tpu.wait_indirect_dma semaphore(%arg10 : memref<!tpu.dma_semaphore, #tpu.memory_space<semaphore_mem>>) src(%dma_wait3A_55 : memref<528x128xf32, #tpu.memory_space<hbm>>) dst(%dma_wait3A_50 : memref<128x128xf32, #tpu.memory_space<vmem>>)
    %run_scoped3A = arith.constant 0 : i32
    %run_scoped3A_56 = arith.constant 0 : i32
    "tpu.region"() ({
      %run_scoped3A_195 = tpu.sem_alloc : memref<!tpu.dma_semaphore, #tpu.memory_space<semaphore_mem>>
      %dma_start3A_196 = arith.constant 0 : i32
      %dma_start3A_197 = arith.constant 0 : i32
      %dma_start3A_198 = tpu.memref_slice %arg8[%run_scoped3A, %dma_start3A_196, %dma_start3A_197] : memref<4x128x128xf32, #tpu.memory_space<vmem>> -> memref<1x128x128xf32, #tpu.memory_space<vmem>>
      %dma_start3A_199 = tpu.memref_squeeze %dma_start3A_198 : memref<1x128x128xf32, #tpu.memory_space<vmem>> -> memref<128x128xf32, #tpu.memory_space<vmem>>
      %dma_start3A_200 = arith.constant 0 : i32
      %dma_start3A_201 = tpu.memref_slice %arg7[%run_scoped3A_56, %dma_start3A_200] : memref<8x128xi32, #tpu.memory_space<vmem>> -> memref<1x128xi32, #tpu.memory_space<vmem>>
      %dma_start3A_202 = tpu.memref_squeeze %dma_start3A_201 : memref<1x128xi32, #tpu.memory_space<vmem>> -> memref<128xi32, #tpu.memory_space<vmem>>
      %dma_start3A_203 = arith.constant 0 : i32
      %dma_start3A_204 = arith.constant 0 : i32
      %dma_start3A_205 = tpu.memref_slice %arg9[%dma_start3A_203, %dma_start3A_204] : memref<1024x128xf32, #tpu.memory_space<vmem_shared>> -> memref<1024x128xf32, #tpu.memory_space<vmem_shared>>
      tpu.enqueue_indirect_dma source(%dma_start3A_199 : memref<128x128xf32, #tpu.memory_space<vmem>>) target(%dma_start3A_205 : memref<1024x128xf32, #tpu.memory_space<vmem_shared>>) offsets(%dma_start3A_202 : memref<128xi32, #tpu.memory_space<vmem>>) semaphore(%run_scoped3A_195 : memref<!tpu.dma_semaphore, #tpu.memory_space<semaphore_mem>>) {add = true}
      %dma_wait3A_206 = arith.constant 0 : i32
      %dma_wait3A_207 = arith.constant 0 : i32
      %dma_wait3A_208 = tpu.memref_slice %arg8[%run_scoped3A, %dma_wait3A_206, %dma_wait3A_207] : memref<4x128x128xf32, #tpu.memory_space<vmem>> -> memref<1x128x128xf32, #tpu.memory_space<vmem>>
      %dma_wait3A_209 = tpu.memref_squeeze %dma_wait3A_208 : memref<1x128x128xf32, #tpu.memory_space<vmem>> -> memref<128x128xf32, #tpu.memory_space<vmem>>
      %dma_wait3A_210 = arith.constant 0 : i32
      %dma_wait3A_211 = tpu.memref_slice %arg7[%run_scoped3A_56, %dma_wait3A_210] : memref<8x128xi32, #tpu.memory_space<vmem>> -> memref<1x128xi32, #tpu.memory_space<vmem>>
      %dma_wait3A_212 = tpu.memref_squeeze %dma_wait3A_211 : memref<1x128xi32, #tpu.memory_space<vmem>> -> memref<128xi32, #tpu.memory_space<vmem>>
      %dma_wait3A_213 = arith.constant 0 : i32
      %dma_wait3A_214 = arith.constant 0 : i32
      %dma_wait3A_215 = tpu.memref_slice %arg9[%dma_wait3A_213, %dma_wait3A_214] : memref<1024x128xf32, #tpu.memory_space<vmem_shared>> -> memref<1024x128xf32, #tpu.memory_space<vmem_shared>>
      tpu.wait_indirect_dma semaphore(%run_scoped3A_195 : memref<!tpu.dma_semaphore, #tpu.memory_space<semaphore_mem>>) src(%dma_wait3A_209 : memref<128x128xf32, #tpu.memory_space<vmem>>) dst(%dma_wait3A_215 : memref<1024x128xf32, #tpu.memory_space<vmem_shared>>)
      tpu.yield
    }) : () -> ()
    %dma_wait3A_57 = arith.constant 1 : i32
    %dma_wait3A_58 = arith.constant 0 : i32
    %dma_wait3A_59 = arith.constant 0 : i32
    %dma_wait3A_60 = tpu.memref_slice %arg8[%dma_wait3A_57, %dma_wait3A_58, %dma_wait3A_59] : memref<4x128x128xf32, #tpu.memory_space<vmem>> -> memref<1x128x128xf32, #tpu.memory_space<vmem>>
    %dma_wait3A_61 = tpu.memref_squeeze %dma_wait3A_60 : memref<1x128x128xf32, #tpu.memory_space<vmem>> -> memref<128x128xf32, #tpu.memory_space<vmem>>
    %dma_wait3A_62 = arith.constant 128 : i32
    %dma_wait3A_63 = tpu.memref_slice %arg6[%dma_wait3A_62] : memref<1024xi32, #tpu.memory_space<vmem>> -> memref<128xi32, #tpu.memory_space<vmem>>
    %dma_wait3A_64 = arith.constant 0 : i32
    %dma_wait3A_65 = arith.constant 0 : i32
    %dma_wait3A_66 = tpu.memref_slice %arg3[%dma_wait3A_64, %dma_wait3A_65] : memref<528x128xf32, #tpu.memory_space<hbm>> -> memref<528x128xf32, #tpu.memory_space<hbm>>
    tpu.wait_indirect_dma semaphore(%arg11 : memref<!tpu.dma_semaphore, #tpu.memory_space<semaphore_mem>>) src(%dma_wait3A_66 : memref<528x128xf32, #tpu.memory_space<hbm>>) dst(%dma_wait3A_61 : memref<128x128xf32, #tpu.memory_space<vmem>>)
    %run_scoped3A_67 = arith.constant 1 : i32
    %run_scoped3A_68 = arith.constant 1 : i32
    "tpu.region"() ({
      %run_scoped3A_195 = tpu.sem_alloc : memref<!tpu.dma_semaphore, #tpu.memory_space<semaphore_mem>>
      %dma_start3A_196 = arith.constant 0 : i32
      %dma_start3A_197 = arith.constant 0 : i32
      %dma_start3A_198 = tpu.memref_slice %arg8[%run_scoped3A_67, %dma_start3A_196, %dma_start3A_197] : memref<4x128x128xf32, #tpu.memory_space<vmem>> -> memref<1x128x128xf32, #tpu.memory_space<vmem>>
      %dma_start3A_199 = tpu.memref_squeeze %dma_start3A_198 : memref<1x128x128xf32, #tpu.memory_space<vmem>> -> memref<128x128xf32, #tpu.memory_space<vmem>>
      %dma_start3A_200 = arith.constant 0 : i32
      %dma_start3A_201 = tpu.memref_slice %arg7[%run_scoped3A_68, %dma_start3A_200] : memref<8x128xi32, #tpu.memory_space<vmem>> -> memref<1x128xi32, #tpu.memory_space<vmem>>
      %dma_start3A_202 = tpu.memref_squeeze %dma_start3A_201 : memref<1x128xi32, #tpu.memory_space<vmem>> -> memref<128xi32, #tpu.memory_space<vmem>>
      %dma_start3A_203 = arith.constant 0 : i32
      %dma_start3A_204 = arith.constant 0 : i32
      %dma_start3A_205 = tpu.memref_slice %arg9[%dma_start3A_203, %dma_start3A_204] : memref<1024x128xf32, #tpu.memory_space<vmem_shared>> -> memref<1024x128xf32, #tpu.memory_space<vmem_shared>>
      tpu.enqueue_indirect_dma source(%dma_start3A_199 : memref<128x128xf32, #tpu.memory_space<vmem>>) target(%dma_start3A_205 : memref<1024x128xf32, #tpu.memory_space<vmem_shared>>) offsets(%dma_start3A_202 : memref<128xi32, #tpu.memory_space<vmem>>) semaphore(%run_scoped3A_195 : memref<!tpu.dma_semaphore, #tpu.memory_space<semaphore_mem>>) {add = true}
      %dma_wait3A_206 = arith.constant 0 : i32
      %dma_wait3A_207 = arith.constant 0 : i32
      %dma_wait3A_208 = tpu.memref_slice %arg8[%run_scoped3A_67, %dma_wait3A_206, %dma_wait3A_207] : memref<4x128x128xf32, #tpu.memory_space<vmem>> -> memref<1x128x128xf32, #tpu.memory_space<vmem>>
      %dma_wait3A_209 = tpu.memref_squeeze %dma_wait3A_208 : memref<1x128x128xf32, #tpu.memory_space<vmem>> -> memref<128x128xf32, #tpu.memory_space<vmem>>
      %dma_wait3A_210 = arith.constant 0 : i32
      %dma_wait3A_211 = tpu.memref_slice %arg7[%run_scoped3A_68, %dma_wait3A_210] : memref<8x128xi32, #tpu.memory_space<vmem>> -> memref<1x128xi32, #tpu.memory_space<vmem>>
      %dma_wait3A_212 = tpu.memref_squeeze %dma_wait3A_211 : memref<1x128xi32, #tpu.memory_space<vmem>> -> memref<128xi32, #tpu.memory_space<vmem>>
      %dma_wait3A_213 = arith.constant 0 : i32
      %dma_wait3A_214 = arith.constant 0 : i32
      %dma_wait3A_215 = tpu.memref_slice %arg9[%dma_wait3A_213, %dma_wait3A_214] : memref<1024x128xf32, #tpu.memory_space<vmem_shared>> -> memref<1024x128xf32, #tpu.memory_space<vmem_shared>>
      tpu.wait_indirect_dma semaphore(%run_scoped3A_195 : memref<!tpu.dma_semaphore, #tpu.memory_space<semaphore_mem>>) src(%dma_wait3A_209 : memref<128x128xf32, #tpu.memory_space<vmem>>) dst(%dma_wait3A_215 : memref<1024x128xf32, #tpu.memory_space<vmem_shared>>)
      tpu.yield
    }) : () -> ()
    %dma_wait3A_69 = arith.constant 2 : i32
    %dma_wait3A_70 = arith.constant 0 : i32
    %dma_wait3A_71 = arith.constant 0 : i32
    %dma_wait3A_72 = tpu.memref_slice %arg8[%dma_wait3A_69, %dma_wait3A_70, %dma_wait3A_71] : memref<4x128x128xf32, #tpu.memory_space<vmem>> -> memref<1x128x128xf32, #tpu.memory_space<vmem>>
    %dma_wait3A_73 = tpu.memref_squeeze %dma_wait3A_72 : memref<1x128x128xf32, #tpu.memory_space<vmem>> -> memref<128x128xf32, #tpu.memory_space<vmem>>
    %dma_wait3A_74 = arith.constant 256 : i32
    %dma_wait3A_75 = tpu.memref_slice %arg6[%dma_wait3A_74] : memref<1024xi32, #tpu.memory_space<vmem>> -> memref<128xi32, #tpu.memory_space<vmem>>
    %dma_wait3A_76 = arith.constant 0 : i32
    %dma_wait3A_77 = arith.constant 0 : i32
    %dma_wait3A_78 = tpu.memref_slice %arg3[%dma_wait3A_76, %dma_wait3A_77] : memref<528x128xf32, #tpu.memory_space<hbm>> -> memref<528x128xf32, #tpu.memory_space<hbm>>
    tpu.wait_indirect_dma semaphore(%arg12 : memref<!tpu.dma_semaphore, #tpu.memory_space<semaphore_mem>>) src(%dma_wait3A_78 : memref<528x128xf32, #tpu.memory_space<hbm>>) dst(%dma_wait3A_73 : memref<128x128xf32, #tpu.memory_space<vmem>>)
    %run_scoped3A_79 = arith.constant 2 : i32
    %run_scoped3A_80 = arith.constant 2 : i32
    "tpu.region"() ({
      %run_scoped3A_195 = tpu.sem_alloc : memref<!tpu.dma_semaphore, #tpu.memory_space<semaphore_mem>>
      %dma_start3A_196 = arith.constant 0 : i32
      %dma_start3A_197 = arith.constant 0 : i32
      %dma_start3A_198 = tpu.memref_slice %arg8[%run_scoped3A_79, %dma_start3A_196, %dma_start3A_197] : memref<4x128x128xf32, #tpu.memory_space<vmem>> -> memref<1x128x128xf32, #tpu.memory_space<vmem>>
      %dma_start3A_199 = tpu.memref_squeeze %dma_start3A_198 : memref<1x128x128xf32, #tpu.memory_space<vmem>> -> memref<128x128xf32, #tpu.memory_space<vmem>>
      %dma_start3A_200 = arith.constant 0 : i32
      %dma_start3A_201 = tpu.memref_slice %arg7[%run_scoped3A_80, %dma_start3A_200] : memref<8x128xi32, #tpu.memory_space<vmem>> -> memref<1x128xi32, #tpu.memory_space<vmem>>
      %dma_start3A_202 = tpu.memref_squeeze %dma_start3A_201 : memref<1x128xi32, #tpu.memory_space<vmem>> -> memref<128xi32, #tpu.memory_space<vmem>>
      %dma_start3A_203 = arith.constant 0 : i32
      %dma_start3A_204 = arith.constant 0 : i32
      %dma_start3A_205 = tpu.memref_slice %arg9[%dma_start3A_203, %dma_start3A_204] : memref<1024x128xf32, #tpu.memory_space<vmem_shared>> -> memref<1024x128xf32, #tpu.memory_space<vmem_shared>>
      tpu.enqueue_indirect_dma source(%dma_start3A_199 : memref<128x128xf32, #tpu.memory_space<vmem>>) target(%dma_start3A_205 : memref<1024x128xf32, #tpu.memory_space<vmem_shared>>) offsets(%dma_start3A_202 : memref<128xi32, #tpu.memory_space<vmem>>) semaphore(%run_scoped3A_195 : memref<!tpu.dma_semaphore, #tpu.memory_space<semaphore_mem>>) {add = true}
      %dma_wait3A_206 = arith.constant 0 : i32
      %dma_wait3A_207 = arith.constant 0 : i32
      %dma_wait3A_208 = tpu.memref_slice %arg8[%run_scoped3A_79, %dma_wait3A_206, %dma_wait3A_207] : memref<4x128x128xf32, #tpu.memory_space<vmem>> -> memref<1x128x128xf32, #tpu.memory_space<vmem>>
      %dma_wait3A_209 = tpu.memref_squeeze %dma_wait3A_208 : memref<1x128x128xf32, #tpu.memory_space<vmem>> -> memref<128x128xf32, #tpu.memory_space<vmem>>
      %dma_wait3A_210 = arith.constant 0 : i32
      %dma_wait3A_211 = tpu.memref_slice %arg7[%run_scoped3A_80, %dma_wait3A_210] : memref<8x128xi32, #tpu.memory_space<vmem>> -> memref<1x128xi32, #tpu.memory_space<vmem>>
      %dma_wait3A_212 = tpu.memref_squeeze %dma_wait3A_211 : memref<1x128xi32, #tpu.memory_space<vmem>> -> memref<128xi32, #tpu.memory_space<vmem>>
      %dma_wait3A_213 = arith.constant 0 : i32
      %dma_wait3A_214 = arith.constant 0 : i32
      %dma_wait3A_215 = tpu.memref_slice %arg9[%dma_wait3A_213, %dma_wait3A_214] : memref<1024x128xf32, #tpu.memory_space<vmem_shared>> -> memref<1024x128xf32, #tpu.memory_space<vmem_shared>>
      tpu.wait_indirect_dma semaphore(%run_scoped3A_195 : memref<!tpu.dma_semaphore, #tpu.memory_space<semaphore_mem>>) src(%dma_wait3A_209 : memref<128x128xf32, #tpu.memory_space<vmem>>) dst(%dma_wait3A_215 : memref<1024x128xf32, #tpu.memory_space<vmem_shared>>)
      tpu.yield
    }) : () -> ()
    %dma_wait3A_81 = arith.constant 3 : i32
    %dma_wait3A_82 = arith.constant 0 : i32
    %dma_wait3A_83 = arith.constant 0 : i32
    %dma_wait3A_84 = tpu.memref_slice %arg8[%dma_wait3A_81, %dma_wait3A_82, %dma_wait3A_83] : memref<4x128x128xf32, #tpu.memory_space<vmem>> -> memref<1x128x128xf32, #tpu.memory_space<vmem>>
    %dma_wait3A_85 = tpu.memref_squeeze %dma_wait3A_84 : memref<1x128x128xf32, #tpu.memory_space<vmem>> -> memref<128x128xf32, #tpu.memory_space<vmem>>
    %dma_wait3A_86 = arith.constant 384 : i32
    %dma_wait3A_87 = tpu.memref_slice %arg6[%dma_wait3A_86] : memref<1024xi32, #tpu.memory_space<vmem>> -> memref<128xi32, #tpu.memory_space<vmem>>
    %dma_wait3A_88 = arith.constant 0 : i32
    %dma_wait3A_89 = arith.constant 0 : i32
    %dma_wait3A_90 = tpu.memref_slice %arg3[%dma_wait3A_88, %dma_wait3A_89] : memref<528x128xf32, #tpu.memory_space<hbm>> -> memref<528x128xf32, #tpu.memory_space<hbm>>
    tpu.wait_indirect_dma semaphore(%arg13 : memref<!tpu.dma_semaphore, #tpu.memory_space<semaphore_mem>>) src(%dma_wait3A_90 : memref<528x128xf32, #tpu.memory_space<hbm>>) dst(%dma_wait3A_85 : memref<128x128xf32, #tpu.memory_space<vmem>>)
    %run_scoped3A_91 = arith.constant 3 : i32
    %run_scoped3A_92 = arith.constant 3 : i32
    "tpu.region"() ({
      %run_scoped3A_195 = tpu.sem_alloc : memref<!tpu.dma_semaphore, #tpu.memory_space<semaphore_mem>>
      %dma_start3A_196 = arith.constant 0 : i32
      %dma_start3A_197 = arith.constant 0 : i32
      %dma_start3A_198 = tpu.memref_slice %arg8[%run_scoped3A_91, %dma_start3A_196, %dma_start3A_197] : memref<4x128x128xf32, #tpu.memory_space<vmem>> -> memref<1x128x128xf32, #tpu.memory_space<vmem>>
      %dma_start3A_199 = tpu.memref_squeeze %dma_start3A_198 : memref<1x128x128xf32, #tpu.memory_space<vmem>> -> memref<128x128xf32, #tpu.memory_space<vmem>>
      %dma_start3A_200 = arith.constant 0 : i32
      %dma_start3A_201 = tpu.memref_slice %arg7[%run_scoped3A_92, %dma_start3A_200] : memref<8x128xi32, #tpu.memory_space<vmem>> -> memref<1x128xi32, #tpu.memory_space<vmem>>
      %dma_start3A_202 = tpu.memref_squeeze %dma_start3A_201 : memref<1x128xi32, #tpu.memory_space<vmem>> -> memref<128xi32, #tpu.memory_space<vmem>>
      %dma_start3A_203 = arith.constant 0 : i32
      %dma_start3A_204 = arith.constant 0 : i32
      %dma_start3A_205 = tpu.memref_slice %arg9[%dma_start3A_203, %dma_start3A_204] : memref<1024x128xf32, #tpu.memory_space<vmem_shared>> -> memref<1024x128xf32, #tpu.memory_space<vmem_shared>>
      tpu.enqueue_indirect_dma source(%dma_start3A_199 : memref<128x128xf32, #tpu.memory_space<vmem>>) target(%dma_start3A_205 : memref<1024x128xf32, #tpu.memory_space<vmem_shared>>) offsets(%dma_start3A_202 : memref<128xi32, #tpu.memory_space<vmem>>) semaphore(%run_scoped3A_195 : memref<!tpu.dma_semaphore, #tpu.memory_space<semaphore_mem>>) {add = true}
      %dma_wait3A_206 = arith.constant 0 : i32
      %dma_wait3A_207 = arith.constant 0 : i32
      %dma_wait3A_208 = tpu.memref_slice %arg8[%run_scoped3A_91, %dma_wait3A_206, %dma_wait3A_207] : memref<4x128x128xf32, #tpu.memory_space<vmem>> -> memref<1x128x128xf32, #tpu.memory_space<vmem>>
      %dma_wait3A_209 = tpu.memref_squeeze %dma_wait3A_208 : memref<1x128x128xf32, #tpu.memory_space<vmem>> -> memref<128x128xf32, #tpu.memory_space<vmem>>
      %dma_wait3A_210 = arith.constant 0 : i32
      %dma_wait3A_211 = tpu.memref_slice %arg7[%run_scoped3A_92, %dma_wait3A_210] : memref<8x128xi32, #tpu.memory_space<vmem>> -> memref<1x128xi32, #tpu.memory_space<vmem>>
      %dma_wait3A_212 = tpu.memref_squeeze %dma_wait3A_211 : memref<1x128xi32, #tpu.memory_space<vmem>> -> memref<128xi32, #tpu.memory_space<vmem>>
      %dma_wait3A_213 = arith.constant 0 : i32
      %dma_wait3A_214 = arith.constant 0 : i32
      %dma_wait3A_215 = tpu.memref_slice %arg9[%dma_wait3A_213, %dma_wait3A_214] : memref<1024x128xf32, #tpu.memory_space<vmem_shared>> -> memref<1024x128xf32, #tpu.memory_space<vmem_shared>>
      tpu.wait_indirect_dma semaphore(%run_scoped3A_195 : memref<!tpu.dma_semaphore, #tpu.memory_space<semaphore_mem>>) src(%dma_wait3A_209 : memref<128x128xf32, #tpu.memory_space<vmem>>) dst(%dma_wait3A_215 : memref<1024x128xf32, #tpu.memory_space<vmem_shared>>)
      tpu.yield
    }) : () -> ()
    %mul3A_93 = arith.constant 64 : i32
    %mul3A_94 = arith.muli %arg1, %mul3A_93 : i32
    %mul3A_95 = arith.constant 128 : i32
    %mul3A_96 = arith.muli %add3A, %mul3A_95 : i32
    %add3A_97 = arith.constant 0 : i32
    %add3A_98 = arith.addi %mul3A_96, %add3A_97 : i32
    "tpu.region"() ({
      %run_scoped3A_195 = tpu.sem_alloc : memref<!tpu.dma_semaphore, #tpu.memory_space<semaphore_mem>>
      %dma_start3A_196 = arith.constant 0 : i32
      %dma_start3A_197 = tpu.memref_slice %arg5[%add3A_98, %dma_start3A_196] : memref<4096x128xf32, #tpu.memory_space<hbm>> -> memref<64x128xf32, #tpu.memory_space<hbm>>
      %dma_start3A_198 = arith.constant 0 : i32
      %dma_start3A_199 = tpu.memref_slice %arg9[%mul3A_94, %dma_start3A_198] : memref<1024x128xf32, #tpu.memory_space<vmem_shared>> -> memref<64x128xf32, #tpu.memory_space<vmem_shared>>
      tpu.enqueue_dma source(%dma_start3A_199 : memref<64x128xf32, #tpu.memory_space<vmem_shared>>) target(%dma_start3A_197 : memref<64x128xf32, #tpu.memory_space<hbm>>) target_semaphore(%run_scoped3A_195 : memref<!tpu.dma_semaphore, #tpu.memory_space<semaphore_mem>>)
      %dma_wait3A_200 = arith.constant 0 : i32
      %dma_wait3A_201 = tpu.memref_slice %arg5[%add3A_98, %dma_wait3A_200] : memref<4096x128xf32, #tpu.memory_space<hbm>> -> memref<64x128xf32, #tpu.memory_space<hbm>>
      %dma_wait3A_202 = arith.constant 0 : i32
      %dma_wait3A_203 = tpu.memref_slice %arg9[%mul3A_94, %dma_wait3A_202] : memref<1024x128xf32, #tpu.memory_space<vmem_shared>> -> memref<64x128xf32, #tpu.memory_space<vmem_shared>>
      tpu.wait_dma2 semaphore(%run_scoped3A_195 : memref<!tpu.dma_semaphore, #tpu.memory_space<semaphore_mem>>) src(%dma_wait3A_203 : memref<64x128xf32, #tpu.memory_space<vmem_shared>>) dst(%dma_wait3A_201 : memref<64x128xf32, #tpu.memory_space<hbm>>)
      tpu.yield
    }) : () -> ()
    %mul3A_99 = arith.constant 64 : i32
    %mul3A_100 = arith.muli %arg1, %mul3A_99 : i32
    "tpu.region"() ({
      %run_scoped3A_195 = tpu.sem_alloc : memref<!tpu.dma_semaphore, #tpu.memory_space<semaphore_mem>>
      %dma_start3A_196 = arith.constant 0 : i32
      %dma_start3A_197 = tpu.memref_slice %arg9[%mul3A_100, %dma_start3A_196] : memref<1024x128xf32, #tpu.memory_space<vmem_shared>> -> memref<64x128xf32, #tpu.memory_space<vmem_shared>>
      tpu.enqueue_dma source(%arg4 : memref<64x128xf32, #tpu.memory_space<hbm>>) target(%dma_start3A_197 : memref<64x128xf32, #tpu.memory_space<vmem_shared>>) target_semaphore(%run_scoped3A_195 : memref<!tpu.dma_semaphore, #tpu.memory_space<semaphore_mem>>)
      %dma_wait3A_198 = arith.constant 0 : i32
      %dma_wait3A_199 = tpu.memref_slice %arg9[%mul3A_100, %dma_wait3A_198] : memref<1024x128xf32, #tpu.memory_space<vmem_shared>> -> memref<64x128xf32, #tpu.memory_space<vmem_shared>>
      tpu.wait_dma2 semaphore(%run_scoped3A_195 : memref<!tpu.dma_semaphore, #tpu.memory_space<semaphore_mem>>) src(%arg4 : memref<64x128xf32, #tpu.memory_space<hbm>>) dst(%dma_wait3A_199 : memref<64x128xf32, #tpu.memory_space<vmem_shared>>)
      tpu.yield
    }) : () -> ()
    %dma_start3A_101 = arith.constant 0 : i32
    %dma_start3A_102 = arith.constant 0 : i32
    %dma_start3A_103 = arith.constant 0 : i32
    %dma_start3A_104 = tpu.memref_slice %arg8[%dma_start3A_101, %dma_start3A_102, %dma_start3A_103] : memref<4x128x128xf32, #tpu.memory_space<vmem>> -> memref<1x128x128xf32, #tpu.memory_space<vmem>>
    %dma_start3A_105 = tpu.memref_squeeze %dma_start3A_104 : memref<1x128x128xf32, #tpu.memory_space<vmem>> -> memref<128x128xf32, #tpu.memory_space<vmem>>
    %dma_start3A_106 = arith.constant 512 : i32
    %dma_start3A_107 = tpu.memref_slice %arg6[%dma_start3A_106] : memref<1024xi32, #tpu.memory_space<vmem>> -> memref<128xi32, #tpu.memory_space<vmem>>
    %dma_start3A_108 = arith.constant 0 : i32
    %dma_start3A_109 = arith.constant 0 : i32
    %dma_start3A_110 = tpu.memref_slice %arg3[%dma_start3A_108, %dma_start3A_109] : memref<528x128xf32, #tpu.memory_space<hbm>> -> memref<528x128xf32, #tpu.memory_space<hbm>>
    tpu.enqueue_indirect_dma source(%dma_start3A_110 : memref<528x128xf32, #tpu.memory_space<hbm>>) target(%dma_start3A_105 : memref<128x128xf32, #tpu.memory_space<vmem>>) offsets(%dma_start3A_107 : memref<128xi32, #tpu.memory_space<vmem>>) semaphore(%arg10 : memref<!tpu.dma_semaphore, #tpu.memory_space<semaphore_mem>>)
    %dma_start3A_111 = arith.constant 1 : i32
    %dma_start3A_112 = arith.constant 0 : i32
    %dma_start3A_113 = arith.constant 0 : i32
    %dma_start3A_114 = tpu.memref_slice %arg8[%dma_start3A_111, %dma_start3A_112, %dma_start3A_113] : memref<4x128x128xf32, #tpu.memory_space<vmem>> -> memref<1x128x128xf32, #tpu.memory_space<vmem>>
    %dma_start3A_115 = tpu.memref_squeeze %dma_start3A_114 : memref<1x128x128xf32, #tpu.memory_space<vmem>> -> memref<128x128xf32, #tpu.memory_space<vmem>>
    %dma_start3A_116 = arith.constant 640 : i32
    %dma_start3A_117 = tpu.memref_slice %arg6[%dma_start3A_116] : memref<1024xi32, #tpu.memory_space<vmem>> -> memref<128xi32, #tpu.memory_space<vmem>>
    %dma_start3A_118 = arith.constant 0 : i32
    %dma_start3A_119 = arith.constant 0 : i32
    %dma_start3A_120 = tpu.memref_slice %arg3[%dma_start3A_118, %dma_start3A_119] : memref<528x128xf32, #tpu.memory_space<hbm>> -> memref<528x128xf32, #tpu.memory_space<hbm>>
    tpu.enqueue_indirect_dma source(%dma_start3A_120 : memref<528x128xf32, #tpu.memory_space<hbm>>) target(%dma_start3A_115 : memref<128x128xf32, #tpu.memory_space<vmem>>) offsets(%dma_start3A_117 : memref<128xi32, #tpu.memory_space<vmem>>) semaphore(%arg11 : memref<!tpu.dma_semaphore, #tpu.memory_space<semaphore_mem>>)
    %dma_start3A_121 = arith.constant 2 : i32
    %dma_start3A_122 = arith.constant 0 : i32
    %dma_start3A_123 = arith.constant 0 : i32
    %dma_start3A_124 = tpu.memref_slice %arg8[%dma_start3A_121, %dma_start3A_122, %dma_start3A_123] : memref<4x128x128xf32, #tpu.memory_space<vmem>> -> memref<1x128x128xf32, #tpu.memory_space<vmem>>
    %dma_start3A_125 = tpu.memref_squeeze %dma_start3A_124 : memref<1x128x128xf32, #tpu.memory_space<vmem>> -> memref<128x128xf32, #tpu.memory_space<vmem>>
    %dma_start3A_126 = arith.constant 768 : i32
    %dma_start3A_127 = tpu.memref_slice %arg6[%dma_start3A_126] : memref<1024xi32, #tpu.memory_space<vmem>> -> memref<128xi32, #tpu.memory_space<vmem>>
    %dma_start3A_128 = arith.constant 0 : i32
    %dma_start3A_129 = arith.constant 0 : i32
    %dma_start3A_130 = tpu.memref_slice %arg3[%dma_start3A_128, %dma_start3A_129] : memref<528x128xf32, #tpu.memory_space<hbm>> -> memref<528x128xf32, #tpu.memory_space<hbm>>
    tpu.enqueue_indirect_dma source(%dma_start3A_130 : memref<528x128xf32, #tpu.memory_space<hbm>>) target(%dma_start3A_125 : memref<128x128xf32, #tpu.memory_space<vmem>>) offsets(%dma_start3A_127 : memref<128xi32, #tpu.memory_space<vmem>>) semaphore(%arg12 : memref<!tpu.dma_semaphore, #tpu.memory_space<semaphore_mem>>)
    %dma_start3A_131 = arith.constant 3 : i32
    %dma_start3A_132 = arith.constant 0 : i32
    %dma_start3A_133 = arith.constant 0 : i32
    %dma_start3A_134 = tpu.memref_slice %arg8[%dma_start3A_131, %dma_start3A_132, %dma_start3A_133] : memref<4x128x128xf32, #tpu.memory_space<vmem>> -> memref<1x128x128xf32, #tpu.memory_space<vmem>>
    %dma_start3A_135 = tpu.memref_squeeze %dma_start3A_134 : memref<1x128x128xf32, #tpu.memory_space<vmem>> -> memref<128x128xf32, #tpu.memory_space<vmem>>
    %dma_start3A_136 = arith.constant 896 : i32
    %dma_start3A_137 = tpu.memref_slice %arg6[%dma_start3A_136] : memref<1024xi32, #tpu.memory_space<vmem>> -> memref<128xi32, #tpu.memory_space<vmem>>
    %dma_start3A_138 = arith.constant 0 : i32
    %dma_start3A_139 = arith.constant 0 : i32
    %dma_start3A_140 = tpu.memref_slice %arg3[%dma_start3A_138, %dma_start3A_139] : memref<528x128xf32, #tpu.memory_space<hbm>> -> memref<528x128xf32, #tpu.memory_space<hbm>>
    tpu.enqueue_indirect_dma source(%dma_start3A_140 : memref<528x128xf32, #tpu.memory_space<hbm>>) target(%dma_start3A_135 : memref<128x128xf32, #tpu.memory_space<vmem>>) offsets(%dma_start3A_137 : memref<128xi32, #tpu.memory_space<vmem>>) semaphore(%arg13 : memref<!tpu.dma_semaphore, #tpu.memory_space<semaphore_mem>>)
    %dma_wait3A_141 = arith.constant 0 : i32
    %dma_wait3A_142 = arith.constant 0 : i32
    %dma_wait3A_143 = arith.constant 0 : i32
    %dma_wait3A_144 = tpu.memref_slice %arg8[%dma_wait3A_141, %dma_wait3A_142, %dma_wait3A_143] : memref<4x128x128xf32, #tpu.memory_space<vmem>> -> memref<1x128x128xf32, #tpu.memory_space<vmem>>
    %dma_wait3A_145 = tpu.memref_squeeze %dma_wait3A_144 : memref<1x128x128xf32, #tpu.memory_space<vmem>> -> memref<128x128xf32, #tpu.memory_space<vmem>>
    %dma_wait3A_146 = arith.constant 512 : i32
    %dma_wait3A_147 = tpu.memref_slice %arg6[%dma_wait3A_146] : memref<1024xi32, #tpu.memory_space<vmem>> -> memref<128xi32, #tpu.memory_space<vmem>>
    %dma_wait3A_148 = arith.constant 0 : i32
    %dma_wait3A_149 = arith.constant 0 : i32
    %dma_wait3A_150 = tpu.memref_slice %arg3[%dma_wait3A_148, %dma_wait3A_149] : memref<528x128xf32, #tpu.memory_space<hbm>> -> memref<528x128xf32, #tpu.memory_space<hbm>>
    tpu.wait_indirect_dma semaphore(%arg10 : memref<!tpu.dma_semaphore, #tpu.memory_space<semaphore_mem>>) src(%dma_wait3A_150 : memref<528x128xf32, #tpu.memory_space<hbm>>) dst(%dma_wait3A_145 : memref<128x128xf32, #tpu.memory_space<vmem>>)
    %run_scoped3A_151 = arith.constant 0 : i32
    %run_scoped3A_152 = arith.constant 4 : i32
    "tpu.region"() ({
      %run_scoped3A_195 = tpu.sem_alloc : memref<!tpu.dma_semaphore, #tpu.memory_space<semaphore_mem>>
      %dma_start3A_196 = arith.constant 0 : i32
      %dma_start3A_197 = arith.constant 0 : i32
      %dma_start3A_198 = tpu.memref_slice %arg8[%run_scoped3A_151, %dma_start3A_196, %dma_start3A_197] : memref<4x128x128xf32, #tpu.memory_space<vmem>> -> memref<1x128x128xf32, #tpu.memory_space<vmem>>
      %dma_start3A_199 = tpu.memref_squeeze %dma_start3A_198 : memref<1x128x128xf32, #tpu.memory_space<vmem>> -> memref<128x128xf32, #tpu.memory_space<vmem>>
      %dma_start3A_200 = arith.constant 0 : i32
      %dma_start3A_201 = tpu.memref_slice %arg7[%run_scoped3A_152, %dma_start3A_200] : memref<8x128xi32, #tpu.memory_space<vmem>> -> memref<1x128xi32, #tpu.memory_space<vmem>>
      %dma_start3A_202 = tpu.memref_squeeze %dma_start3A_201 : memref<1x128xi32, #tpu.memory_space<vmem>> -> memref<128xi32, #tpu.memory_space<vmem>>
      %dma_start3A_203 = arith.constant 0 : i32
      %dma_start3A_204 = arith.constant 0 : i32
      %dma_start3A_205 = tpu.memref_slice %arg9[%dma_start3A_203, %dma_start3A_204] : memref<1024x128xf32, #tpu.memory_space<vmem_shared>> -> memref<1024x128xf32, #tpu.memory_space<vmem_shared>>
      tpu.enqueue_indirect_dma source(%dma_start3A_199 : memref<128x128xf32, #tpu.memory_space<vmem>>) target(%dma_start3A_205 : memref<1024x128xf32, #tpu.memory_space<vmem_shared>>) offsets(%dma_start3A_202 : memref<128xi32, #tpu.memory_space<vmem>>) semaphore(%run_scoped3A_195 : memref<!tpu.dma_semaphore, #tpu.memory_space<semaphore_mem>>) {add = true}
      %dma_wait3A_206 = arith.constant 0 : i32
      %dma_wait3A_207 = arith.constant 0 : i32
      %dma_wait3A_208 = tpu.memref_slice %arg8[%run_scoped3A_151, %dma_wait3A_206, %dma_wait3A_207] : memref<4x128x128xf32, #tpu.memory_space<vmem>> -> memref<1x128x128xf32, #tpu.memory_space<vmem>>
      %dma_wait3A_209 = tpu.memref_squeeze %dma_wait3A_208 : memref<1x128x128xf32, #tpu.memory_space<vmem>> -> memref<128x128xf32, #tpu.memory_space<vmem>>
      %dma_wait3A_210 = arith.constant 0 : i32
      %dma_wait3A_211 = tpu.memref_slice %arg7[%run_scoped3A_152, %dma_wait3A_210] : memref<8x128xi32, #tpu.memory_space<vmem>> -> memref<1x128xi32, #tpu.memory_space<vmem>>
      %dma_wait3A_212 = tpu.memref_squeeze %dma_wait3A_211 : memref<1x128xi32, #tpu.memory_space<vmem>> -> memref<128xi32, #tpu.memory_space<vmem>>
      %dma_wait3A_213 = arith.constant 0 : i32
      %dma_wait3A_214 = arith.constant 0 : i32
      %dma_wait3A_215 = tpu.memref_slice %arg9[%dma_wait3A_213, %dma_wait3A_214] : memref<1024x128xf32, #tpu.memory_space<vmem_shared>> -> memref<1024x128xf32, #tpu.memory_space<vmem_shared>>
      tpu.wait_indirect_dma semaphore(%run_scoped3A_195 : memref<!tpu.dma_semaphore, #tpu.memory_space<semaphore_mem>>) src(%dma_wait3A_209 : memref<128x128xf32, #tpu.memory_space<vmem>>) dst(%dma_wait3A_215 : memref<1024x128xf32, #tpu.memory_space<vmem_shared>>)
      tpu.yield
    }) : () -> ()
    %dma_wait3A_153 = arith.constant 1 : i32
    %dma_wait3A_154 = arith.constant 0 : i32
    %dma_wait3A_155 = arith.constant 0 : i32
    %dma_wait3A_156 = tpu.memref_slice %arg8[%dma_wait3A_153, %dma_wait3A_154, %dma_wait3A_155] : memref<4x128x128xf32, #tpu.memory_space<vmem>> -> memref<1x128x128xf32, #tpu.memory_space<vmem>>
    %dma_wait3A_157 = tpu.memref_squeeze %dma_wait3A_156 : memref<1x128x128xf32, #tpu.memory_space<vmem>> -> memref<128x128xf32, #tpu.memory_space<vmem>>
    %dma_wait3A_158 = arith.constant 640 : i32
    %dma_wait3A_159 = tpu.memref_slice %arg6[%dma_wait3A_158] : memref<1024xi32, #tpu.memory_space<vmem>> -> memref<128xi32, #tpu.memory_space<vmem>>
    %dma_wait3A_160 = arith.constant 0 : i32
    %dma_wait3A_161 = arith.constant 0 : i32
    %dma_wait3A_162 = tpu.memref_slice %arg3[%dma_wait3A_160, %dma_wait3A_161] : memref<528x128xf32, #tpu.memory_space<hbm>> -> memref<528x128xf32, #tpu.memory_space<hbm>>
    tpu.wait_indirect_dma semaphore(%arg11 : memref<!tpu.dma_semaphore, #tpu.memory_space<semaphore_mem>>) src(%dma_wait3A_162 : memref<528x128xf32, #tpu.memory_space<hbm>>) dst(%dma_wait3A_157 : memref<128x128xf32, #tpu.memory_space<vmem>>)
    %run_scoped3A_163 = arith.constant 1 : i32
    %run_scoped3A_164 = arith.constant 5 : i32
    "tpu.region"() ({
      %run_scoped3A_195 = tpu.sem_alloc : memref<!tpu.dma_semaphore, #tpu.memory_space<semaphore_mem>>
      %dma_start3A_196 = arith.constant 0 : i32
      %dma_start3A_197 = arith.constant 0 : i32
      %dma_start3A_198 = tpu.memref_slice %arg8[%run_scoped3A_163, %dma_start3A_196, %dma_start3A_197] : memref<4x128x128xf32, #tpu.memory_space<vmem>> -> memref<1x128x128xf32, #tpu.memory_space<vmem>>
      %dma_start3A_199 = tpu.memref_squeeze %dma_start3A_198 : memref<1x128x128xf32, #tpu.memory_space<vmem>> -> memref<128x128xf32, #tpu.memory_space<vmem>>
      %dma_start3A_200 = arith.constant 0 : i32
      %dma_start3A_201 = tpu.memref_slice %arg7[%run_scoped3A_164, %dma_start3A_200] : memref<8x128xi32, #tpu.memory_space<vmem>> -> memref<1x128xi32, #tpu.memory_space<vmem>>
      %dma_start3A_202 = tpu.memref_squeeze %dma_start3A_201 : memref<1x128xi32, #tpu.memory_space<vmem>> -> memref<128xi32, #tpu.memory_space<vmem>>
      %dma_start3A_203 = arith.constant 0 : i32
      %dma_start3A_204 = arith.constant 0 : i32
      %dma_start3A_205 = tpu.memref_slice %arg9[%dma_start3A_203, %dma_start3A_204] : memref<1024x128xf32, #tpu.memory_space<vmem_shared>> -> memref<1024x128xf32, #tpu.memory_space<vmem_shared>>
      tpu.enqueue_indirect_dma source(%dma_start3A_199 : memref<128x128xf32, #tpu.memory_space<vmem>>) target(%dma_start3A_205 : memref<1024x128xf32, #tpu.memory_space<vmem_shared>>) offsets(%dma_start3A_202 : memref<128xi32, #tpu.memory_space<vmem>>) semaphore(%run_scoped3A_195 : memref<!tpu.dma_semaphore, #tpu.memory_space<semaphore_mem>>) {add = true}
      %dma_wait3A_206 = arith.constant 0 : i32
      %dma_wait3A_207 = arith.constant 0 : i32
      %dma_wait3A_208 = tpu.memref_slice %arg8[%run_scoped3A_163, %dma_wait3A_206, %dma_wait3A_207] : memref<4x128x128xf32, #tpu.memory_space<vmem>> -> memref<1x128x128xf32, #tpu.memory_space<vmem>>
      %dma_wait3A_209 = tpu.memref_squeeze %dma_wait3A_208 : memref<1x128x128xf32, #tpu.memory_space<vmem>> -> memref<128x128xf32, #tpu.memory_space<vmem>>
      %dma_wait3A_210 = arith.constant 0 : i32
      %dma_wait3A_211 = tpu.memref_slice %arg7[%run_scoped3A_164, %dma_wait3A_210] : memref<8x128xi32, #tpu.memory_space<vmem>> -> memref<1x128xi32, #tpu.memory_space<vmem>>
      %dma_wait3A_212 = tpu.memref_squeeze %dma_wait3A_211 : memref<1x128xi32, #tpu.memory_space<vmem>> -> memref<128xi32, #tpu.memory_space<vmem>>
      %dma_wait3A_213 = arith.constant 0 : i32
      %dma_wait3A_214 = arith.constant 0 : i32
      %dma_wait3A_215 = tpu.memref_slice %arg9[%dma_wait3A_213, %dma_wait3A_214] : memref<1024x128xf32, #tpu.memory_space<vmem_shared>> -> memref<1024x128xf32, #tpu.memory_space<vmem_shared>>
      tpu.wait_indirect_dma semaphore(%run_scoped3A_195 : memref<!tpu.dma_semaphore, #tpu.memory_space<semaphore_mem>>) src(%dma_wait3A_209 : memref<128x128xf32, #tpu.memory_space<vmem>>) dst(%dma_wait3A_215 : memref<1024x128xf32, #tpu.memory_space<vmem_shared>>)
      tpu.yield
    }) : () -> ()
    %dma_wait3A_165 = arith.constant 2 : i32
    %dma_wait3A_166 = arith.constant 0 : i32
    %dma_wait3A_167 = arith.constant 0 : i32
    %dma_wait3A_168 = tpu.memref_slice %arg8[%dma_wait3A_165, %dma_wait3A_166, %dma_wait3A_167] : memref<4x128x128xf32, #tpu.memory_space<vmem>> -> memref<1x128x128xf32, #tpu.memory_space<vmem>>
    %dma_wait3A_169 = tpu.memref_squeeze %dma_wait3A_168 : memref<1x128x128xf32, #tpu.memory_space<vmem>> -> memref<128x128xf32, #tpu.memory_space<vmem>>
    %dma_wait3A_170 = arith.constant 768 : i32
    %dma_wait3A_171 = tpu.memref_slice %arg6[%dma_wait3A_170] : memref<1024xi32, #tpu.memory_space<vmem>> -> memref<128xi32, #tpu.memory_space<vmem>>
    %dma_wait3A_172 = arith.constant 0 : i32
    %dma_wait3A_173 = arith.constant 0 : i32
    %dma_wait3A_174 = tpu.memref_slice %arg3[%dma_wait3A_172, %dma_wait3A_173] : memref<528x128xf32, #tpu.memory_space<hbm>> -> memref<528x128xf32, #tpu.memory_space<hbm>>
    tpu.wait_indirect_dma semaphore(%arg12 : memref<!tpu.dma_semaphore, #tpu.memory_space<semaphore_mem>>) src(%dma_wait3A_174 : memref<528x128xf32, #tpu.memory_space<hbm>>) dst(%dma_wait3A_169 : memref<128x128xf32, #tpu.memory_space<vmem>>)
    %run_scoped3A_175 = arith.constant 2 : i32
    %run_scoped3A_176 = arith.constant 6 : i32
    "tpu.region"() ({
      %run_scoped3A_195 = tpu.sem_alloc : memref<!tpu.dma_semaphore, #tpu.memory_space<semaphore_mem>>
      %dma_start3A_196 = arith.constant 0 : i32
      %dma_start3A_197 = arith.constant 0 : i32
      %dma_start3A_198 = tpu.memref_slice %arg8[%run_scoped3A_175, %dma_start3A_196, %dma_start3A_197] : memref<4x128x128xf32, #tpu.memory_space<vmem>> -> memref<1x128x128xf32, #tpu.memory_space<vmem>>
      %dma_start3A_199 = tpu.memref_squeeze %dma_start3A_198 : memref<1x128x128xf32, #tpu.memory_space<vmem>> -> memref<128x128xf32, #tpu.memory_space<vmem>>
      %dma_start3A_200 = arith.constant 0 : i32
      %dma_start3A_201 = tpu.memref_slice %arg7[%run_scoped3A_176, %dma_start3A_200] : memref<8x128xi32, #tpu.memory_space<vmem>> -> memref<1x128xi32, #tpu.memory_space<vmem>>
      %dma_start3A_202 = tpu.memref_squeeze %dma_start3A_201 : memref<1x128xi32, #tpu.memory_space<vmem>> -> memref<128xi32, #tpu.memory_space<vmem>>
      %dma_start3A_203 = arith.constant 0 : i32
      %dma_start3A_204 = arith.constant 0 : i32
      %dma_start3A_205 = tpu.memref_slice %arg9[%dma_start3A_203, %dma_start3A_204] : memref<1024x128xf32, #tpu.memory_space<vmem_shared>> -> memref<1024x128xf32, #tpu.memory_space<vmem_shared>>
      tpu.enqueue_indirect_dma source(%dma_start3A_199 : memref<128x128xf32, #tpu.memory_space<vmem>>) target(%dma_start3A_205 : memref<1024x128xf32, #tpu.memory_space<vmem_shared>>) offsets(%dma_start3A_202 : memref<128xi32, #tpu.memory_space<vmem>>) semaphore(%run_scoped3A_195 : memref<!tpu.dma_semaphore, #tpu.memory_space<semaphore_mem>>) {add = true}
      %dma_wait3A_206 = arith.constant 0 : i32
      %dma_wait3A_207 = arith.constant 0 : i32
      %dma_wait3A_208 = tpu.memref_slice %arg8[%run_scoped3A_175, %dma_wait3A_206, %dma_wait3A_207] : memref<4x128x128xf32, #tpu.memory_space<vmem>> -> memref<1x128x128xf32, #tpu.memory_space<vmem>>
      %dma_wait3A_209 = tpu.memref_squeeze %dma_wait3A_208 : memref<1x128x128xf32, #tpu.memory_space<vmem>> -> memref<128x128xf32, #tpu.memory_space<vmem>>
      %dma_wait3A_210 = arith.constant 0 : i32
      %dma_wait3A_211 = tpu.memref_slice %arg7[%run_scoped3A_176, %dma_wait3A_210] : memref<8x128xi32, #tpu.memory_space<vmem>> -> memref<1x128xi32, #tpu.memory_space<vmem>>
      %dma_wait3A_212 = tpu.memref_squeeze %dma_wait3A_211 : memref<1x128xi32, #tpu.memory_space<vmem>> -> memref<128xi32, #tpu.memory_space<vmem>>
      %dma_wait3A_213 = arith.constant 0 : i32
      %dma_wait3A_214 = arith.constant 0 : i32
      %dma_wait3A_215 = tpu.memref_slice %arg9[%dma_wait3A_213, %dma_wait3A_214] : memref<1024x128xf32, #tpu.memory_space<vmem_shared>> -> memref<1024x128xf32, #tpu.memory_space<vmem_shared>>
      tpu.wait_indirect_dma semaphore(%run_scoped3A_195 : memref<!tpu.dma_semaphore, #tpu.memory_space<semaphore_mem>>) src(%dma_wait3A_209 : memref<128x128xf32, #tpu.memory_space<vmem>>) dst(%dma_wait3A_215 : memref<1024x128xf32, #tpu.memory_space<vmem_shared>>)
      tpu.yield
    }) : () -> ()
    %dma_wait3A_177 = arith.constant 3 : i32
    %dma_wait3A_178 = arith.constant 0 : i32
    %dma_wait3A_179 = arith.constant 0 : i32
    %dma_wait3A_180 = tpu.memref_slice %arg8[%dma_wait3A_177, %dma_wait3A_178, %dma_wait3A_179] : memref<4x128x128xf32, #tpu.memory_space<vmem>> -> memref<1x128x128xf32, #tpu.memory_space<vmem>>
    %dma_wait3A_181 = tpu.memref_squeeze %dma_wait3A_180 : memref<1x128x128xf32, #tpu.memory_space<vmem>> -> memref<128x128xf32, #tpu.memory_space<vmem>>
    %dma_wait3A_182 = arith.constant 896 : i32
    %dma_wait3A_183 = tpu.memref_slice %arg6[%dma_wait3A_182] : memref<1024xi32, #tpu.memory_space<vmem>> -> memref<128xi32, #tpu.memory_space<vmem>>
    %dma_wait3A_184 = arith.constant 0 : i32
    %dma_wait3A_185 = arith.constant 0 : i32
    %dma_wait3A_186 = tpu.memref_slice %arg3[%dma_wait3A_184, %dma_wait3A_185] : memref<528x128xf32, #tpu.memory_space<hbm>> -> memref<528x128xf32, #tpu.memory_space<hbm>>
    tpu.wait_indirect_dma semaphore(%arg13 : memref<!tpu.dma_semaphore, #tpu.memory_space<semaphore_mem>>) src(%dma_wait3A_186 : memref<528x128xf32, #tpu.memory_space<hbm>>) dst(%dma_wait3A_181 : memref<128x128xf32, #tpu.memory_space<vmem>>)
    %run_scoped3A_187 = arith.constant 3 : i32
    %run_scoped3A_188 = arith.constant 7 : i32
    "tpu.region"() ({
      %run_scoped3A_195 = tpu.sem_alloc : memref<!tpu.dma_semaphore, #tpu.memory_space<semaphore_mem>>
      %dma_start3A_196 = arith.constant 0 : i32
      %dma_start3A_197 = arith.constant 0 : i32
      %dma_start3A_198 = tpu.memref_slice %arg8[%run_scoped3A_187, %dma_start3A_196, %dma_start3A_197] : memref<4x128x128xf32, #tpu.memory_space<vmem>> -> memref<1x128x128xf32, #tpu.memory_space<vmem>>
      %dma_start3A_199 = tpu.memref_squeeze %dma_start3A_198 : memref<1x128x128xf32, #tpu.memory_space<vmem>> -> memref<128x128xf32, #tpu.memory_space<vmem>>
      %dma_start3A_200 = arith.constant 0 : i32
      %dma_start3A_201 = tpu.memref_slice %arg7[%run_scoped3A_188, %dma_start3A_200] : memref<8x128xi32, #tpu.memory_space<vmem>> -> memref<1x128xi32, #tpu.memory_space<vmem>>
      %dma_start3A_202 = tpu.memref_squeeze %dma_start3A_201 : memref<1x128xi32, #tpu.memory_space<vmem>> -> memref<128xi32, #tpu.memory_space<vmem>>
      %dma_start3A_203 = arith.constant 0 : i32
      %dma_start3A_204 = arith.constant 0 : i32
      %dma_start3A_205 = tpu.memref_slice %arg9[%dma_start3A_203, %dma_start3A_204] : memref<1024x128xf32, #tpu.memory_space<vmem_shared>> -> memref<1024x128xf32, #tpu.memory_space<vmem_shared>>
      tpu.enqueue_indirect_dma source(%dma_start3A_199 : memref<128x128xf32, #tpu.memory_space<vmem>>) target(%dma_start3A_205 : memref<1024x128xf32, #tpu.memory_space<vmem_shared>>) offsets(%dma_start3A_202 : memref<128xi32, #tpu.memory_space<vmem>>) semaphore(%run_scoped3A_195 : memref<!tpu.dma_semaphore, #tpu.memory_space<semaphore_mem>>) {add = true}
      %dma_wait3A_206 = arith.constant 0 : i32
      %dma_wait3A_207 = arith.constant 0 : i32
      %dma_wait3A_208 = tpu.memref_slice %arg8[%run_scoped3A_187, %dma_wait3A_206, %dma_wait3A_207] : memref<4x128x128xf32, #tpu.memory_space<vmem>> -> memref<1x128x128xf32, #tpu.memory_space<vmem>>
      %dma_wait3A_209 = tpu.memref_squeeze %dma_wait3A_208 : memref<1x128x128xf32, #tpu.memory_space<vmem>> -> memref<128x128xf32, #tpu.memory_space<vmem>>
      %dma_wait3A_210 = arith.constant 0 : i32
      %dma_wait3A_211 = tpu.memref_slice %arg7[%run_scoped3A_188, %dma_wait3A_210] : memref<8x128xi32, #tpu.memory_space<vmem>> -> memref<1x128xi32, #tpu.memory_space<vmem>>
      %dma_wait3A_212 = tpu.memref_squeeze %dma_wait3A_211 : memref<1x128xi32, #tpu.memory_space<vmem>> -> memref<128xi32, #tpu.memory_space<vmem>>
      %dma_wait3A_213 = arith.constant 0 : i32
      %dma_wait3A_214 = arith.constant 0 : i32
      %dma_wait3A_215 = tpu.memref_slice %arg9[%dma_wait3A_213, %dma_wait3A_214] : memref<1024x128xf32, #tpu.memory_space<vmem_shared>> -> memref<1024x128xf32, #tpu.memory_space<vmem_shared>>
      tpu.wait_indirect_dma semaphore(%run_scoped3A_195 : memref<!tpu.dma_semaphore, #tpu.memory_space<semaphore_mem>>) src(%dma_wait3A_209 : memref<128x128xf32, #tpu.memory_space<vmem>>) dst(%dma_wait3A_215 : memref<1024x128xf32, #tpu.memory_space<vmem_shared>>)
      tpu.yield
    }) : () -> ()
    %mul3A_189 = arith.constant 64 : i32
    %mul3A_190 = arith.muli %arg1, %mul3A_189 : i32
    %mul3A_191 = arith.constant 128 : i32
    %mul3A_192 = arith.muli %add3A, %mul3A_191 : i32
    %add3A_193 = arith.constant 64 : i32
    %add3A_194 = arith.addi %mul3A_192, %add3A_193 : i32
    "tpu.region"() ({
      %run_scoped3A_195 = tpu.sem_alloc : memref<!tpu.dma_semaphore, #tpu.memory_space<semaphore_mem>>
      %dma_start3A_196 = arith.constant 0 : i32
      %dma_start3A_197 = tpu.memref_slice %arg5[%add3A_194, %dma_start3A_196] : memref<4096x128xf32, #tpu.memory_space<hbm>> -> memref<64x128xf32, #tpu.memory_space<hbm>>
      %dma_start3A_198 = arith.constant 0 : i32
      %dma_start3A_199 = tpu.memref_slice %arg9[%mul3A_190, %dma_start3A_198] : memref<1024x128xf32, #tpu.memory_space<vmem_shared>> -> memref<64x128xf32, #tpu.memory_space<vmem_shared>>
      tpu.enqueue_dma source(%dma_start3A_199 : memref<64x128xf32, #tpu.memory_space<vmem_shared>>) target(%dma_start3A_197 : memref<64x128xf32, #tpu.memory_space<hbm>>) target_semaphore(%run_scoped3A_195 : memref<!tpu.dma_semaphore, #tpu.memory_space<semaphore_mem>>)
      %dma_wait3A_200 = arith.constant 0 : i32
      %dma_wait3A_201 = tpu.memref_slice %arg5[%add3A_194, %dma_wait3A_200] : memref<4096x128xf32, #tpu.memory_space<hbm>> -> memref<64x128xf32, #tpu.memory_space<hbm>>
      %dma_wait3A_202 = arith.constant 0 : i32
      %dma_wait3A_203 = tpu.memref_slice %arg9[%mul3A_190, %dma_wait3A_202] : memref<1024x128xf32, #tpu.memory_space<vmem_shared>> -> memref<64x128xf32, #tpu.memory_space<vmem_shared>>
      tpu.wait_dma2 semaphore(%run_scoped3A_195 : memref<!tpu.dma_semaphore, #tpu.memory_space<semaphore_mem>>) src(%dma_wait3A_203 : memref<64x128xf32, #tpu.memory_space<vmem_shared>>) dst(%dma_wait3A_201 : memref<64x128xf32, #tpu.memory_space<hbm>>)
      tpu.yield
    }) : () -> ()
    return
  }
}

module attributes {stable_mosaic.version = 14 : i64} {
  func.func @_table_body(%arg0: memref<257x128xf32, #tpu.memory_space<vmem>>, %arg1: memref<2x128xf32, #tpu.memory_space<vmem>>, %arg2: memref<128x256xf32, #tpu.memory_space<vmem>>, %arg3: memref<128xf32, #tpu.memory_space<vmem>>, %arg4: memref<128x128xf32, #tpu.memory_space<vmem>>, %arg5: memref<128xf32, #tpu.memory_space<vmem>>, %arg6: memref<528x128xf32, #tpu.memory_space<vmem>>) attributes {dimension_semantics = [], scalar_prefetch = 0 : i64, scratch_operands = 0 : i64, tpu.core_type = #tpu.core_type<tc>} {
    %get3A = arith.constant 0 : index
    %get3A_0 = arith.constant 0 : index
    %get3A_1 = vector.load %arg0[%get3A, %get3A_0] : memref<257x128xf32, #tpu.memory_space<vmem>>, vector<257x128xf32>
    %broadcast_in_dim3A = arith.constant 0.000000e+00 : f32
    %broadcast_in_dim3A_2 = vector.broadcast %broadcast_in_dim3A : f32 to vector<7x128xf32>
    %concatenate3A = tpu.concatenate %get3A_1, %broadcast_in_dim3A_2 in 0 : vector<257x128xf32>, vector<7x128xf32> -> vector<264x128xf32>
    %get3A_3 = arith.constant 0 : index
    %get3A_4 = arith.constant 0 : index
    %get3A_5 = vector.load %arg2[%get3A_3, %get3A_4] : memref<128x256xf32, #tpu.memory_space<vmem>>, vector<128x128xf32>
    %dot_general3A = arith.constant dense<0.000000e+00> : vector<264x128xf32>
    %dot_general3A_6 = tpu.matmul %concatenate3A, %get3A_5, %dot_general3A {dimension_numbers = #tpu.dot_dimension_numbers<[1], [1], [0], [0], [0, 0, 1, 0], [], []>, transpose_lhs_hint = false} : vector<264x128xf32>, vector<128x128xf32>, vector<264x128xf32> -> vector<264x128xf32>
    %get3A_7 = arith.constant 0 : index
    %get3A_8 = arith.constant 0 : index
    %get3A_9 = vector.load %arg1[%get3A_7, %get3A_8] : memref<2x128xf32, #tpu.memory_space<vmem>>, vector<2x128xf32>
    %get3A_10 = arith.constant 0 : index
    %get3A_11 = arith.constant 128 : index
    %get3A_12 = vector.load %arg2[%get3A_10, %get3A_11] : memref<128x256xf32, #tpu.memory_space<vmem>>, vector<128x128xf32>
    %dot_general3A_13 = arith.constant dense<0.000000e+00> : vector<2x128xf32>
    %dot_general3A_14 = tpu.matmul %get3A_9, %get3A_12, %dot_general3A_13 {dimension_numbers = #tpu.dot_dimension_numbers<[1], [1], [0], [0], [0, 0, 1, 0], [], []>, transpose_lhs_hint = false} : vector<2x128xf32>, vector<128x128xf32>, vector<2x128xf32> -> vector<2x128xf32>
    %slice3A = vector.extract_strided_slice %dot_general3A_14 {offsets = [0, 0], sizes = [1, 128], strides = [1, 1]} : vector<2x128xf32> to vector<1x128xf32>
    %add3A = vector.broadcast %slice3A : vector<1x128xf32> to vector<264x128xf32>
    %add3A_15 = arith.addf %dot_general3A_6, %add3A : vector<264x128xf32>
    %get3A_16 = arith.constant 0 : index
    %get3A_17 = vector.load %arg3[%get3A_16] : memref<128xf32, #tpu.memory_space<vmem>>, vector<128xf32>
    %broadcast_in_dim3A_18 = vector.shape_cast %get3A_17 : vector<128xf32> to vector<1x128xf32>
    %add3A_19 = vector.broadcast %broadcast_in_dim3A_18 : vector<1x128xf32> to vector<264x128xf32>
    %add3A_20 = arith.addf %add3A_15, %add3A_19 : vector<264x128xf32>
    %mul3A = arith.constant 5.000000e-01 : f32
    %mul3A_21 = vector.broadcast %mul3A : f32 to vector<264x128xf32>
    %mul3A_22 = arith.mulf %mul3A_21, %add3A_20 : vector<264x128xf32>
    %mul3A_23 = arith.constant 0.707106769 : f32
    %mul3A_24 = vector.broadcast %mul3A_23 : f32 to vector<264x128xf32>
    %mul3A_25 = arith.mulf %add3A_20, %mul3A_24 : vector<264x128xf32>
    %erf3A = math.erf %mul3A_25 : vector<264x128xf32>
    %add3A_26 = arith.constant 1.000000e+00 : f32
    %add3A_27 = vector.broadcast %add3A_26 : f32 to vector<264x128xf32>
    %add3A_28 = arith.addf %add3A_27, %erf3A : vector<264x128xf32>
    %mul3A_29 = arith.mulf %mul3A_22, %add3A_28 : vector<264x128xf32>
    %get3A_30 = arith.constant 0 : index
    %get3A_31 = arith.constant 0 : index
    %get3A_32 = vector.load %arg4[%get3A_30, %get3A_31] : memref<128x128xf32, #tpu.memory_space<vmem>>, vector<128x128xf32>
    %dot_general3A_33 = arith.constant dense<0.000000e+00> : vector<264x128xf32>
    %dot_general3A_34 = tpu.matmul %mul3A_29, %get3A_32, %dot_general3A_33 {dimension_numbers = #tpu.dot_dimension_numbers<[1], [1], [0], [0], [0, 0, 1, 0], [], []>, transpose_lhs_hint = false} : vector<264x128xf32>, vector<128x128xf32>, vector<264x128xf32> -> vector<264x128xf32>
    %get3A_35 = arith.constant 0 : index
    %get3A_36 = vector.load %arg5[%get3A_35] : memref<128xf32, #tpu.memory_space<vmem>>, vector<128xf32>
    %broadcast_in_dim3A_37 = vector.shape_cast %get3A_36 : vector<128xf32> to vector<1x128xf32>
    %add3A_38 = vector.broadcast %broadcast_in_dim3A_37 : vector<1x128xf32> to vector<264x128xf32>
    %add3A_39 = arith.addf %dot_general3A_34, %add3A_38 : vector<264x128xf32>
    %swap3A = arith.constant 0 : index
    %swap3A_40 = arith.constant 0 : index
    %swap3A_41 = vector.load %arg6[%swap3A, %swap3A_40] : memref<528x128xf32, #tpu.memory_space<vmem>>, vector<264x128xf32>
    tpu.vector_store %arg6[%swap3A, %swap3A_40], %add3A_39 {strides = array<i32>} : memref<528x128xf32, #tpu.memory_space<vmem>>, vector<264x128xf32>,
    %slice3A_42 = vector.extract_strided_slice %dot_general3A_14 {offsets = [1, 0], sizes = [1, 128], strides = [1, 1]} : vector<2x128xf32> to vector<1x128xf32>
    %add3A_43 = vector.broadcast %slice3A_42 : vector<1x128xf32> to vector<264x128xf32>
    %add3A_44 = arith.addf %dot_general3A_6, %add3A_43 : vector<264x128xf32>
    %get3A_45 = arith.constant 0 : index
    %get3A_46 = vector.load %arg3[%get3A_45] : memref<128xf32, #tpu.memory_space<vmem>>, vector<128xf32>
    %broadcast_in_dim3A_47 = vector.shape_cast %get3A_46 : vector<128xf32> to vector<1x128xf32>
    %add3A_48 = vector.broadcast %broadcast_in_dim3A_47 : vector<1x128xf32> to vector<264x128xf32>
    %add3A_49 = arith.addf %add3A_44, %add3A_48 : vector<264x128xf32>
    %mul3A_50 = arith.constant 5.000000e-01 : f32
    %mul3A_51 = vector.broadcast %mul3A_50 : f32 to vector<264x128xf32>
    %mul3A_52 = arith.mulf %mul3A_51, %add3A_49 : vector<264x128xf32>
    %mul3A_53 = arith.constant 0.707106769 : f32
    %mul3A_54 = vector.broadcast %mul3A_53 : f32 to vector<264x128xf32>
    %mul3A_55 = arith.mulf %add3A_49, %mul3A_54 : vector<264x128xf32>
    %erf3A_56 = math.erf %mul3A_55 : vector<264x128xf32>
    %add3A_57 = arith.constant 1.000000e+00 : f32
    %add3A_58 = vector.broadcast %add3A_57 : f32 to vector<264x128xf32>
    %add3A_59 = arith.addf %add3A_58, %erf3A_56 : vector<264x128xf32>
    %mul3A_60 = arith.mulf %mul3A_52, %add3A_59 : vector<264x128xf32>
    %get3A_61 = arith.constant 0 : index
    %get3A_62 = arith.constant 0 : index
    %get3A_63 = vector.load %arg4[%get3A_61, %get3A_62] : memref<128x128xf32, #tpu.memory_space<vmem>>, vector<128x128xf32>
    %dot_general3A_64 = arith.constant dense<0.000000e+00> : vector<264x128xf32>
    %dot_general3A_65 = tpu.matmul %mul3A_60, %get3A_63, %dot_general3A_64 {dimension_numbers = #tpu.dot_dimension_numbers<[1], [1], [0], [0], [0, 0, 1, 0], [], []>, transpose_lhs_hint = false} : vector<264x128xf32>, vector<128x128xf32>, vector<264x128xf32> -> vector<264x128xf32>
    %get3A_66 = arith.constant 0 : index
    %get3A_67 = vector.load %arg5[%get3A_66] : memref<128xf32, #tpu.memory_space<vmem>>, vector<128xf32>
    %broadcast_in_dim3A_68 = vector.shape_cast %get3A_67 : vector<128xf32> to vector<1x128xf32>
    %add3A_69 = vector.broadcast %broadcast_in_dim3A_68 : vector<1x128xf32> to vector<264x128xf32>
    %add3A_70 = arith.addf %dot_general3A_65, %add3A_69 : vector<264x128xf32>
    %swap3A_71 = arith.constant 264 : index
    %swap3A_72 = arith.constant 0 : index
    %swap3A_73 = vector.load %arg6[%swap3A_71, %swap3A_72] : memref<528x128xf32, #tpu.memory_space<vmem>>, vector<264x128xf32>
    tpu.vector_store %arg6[%swap3A_71, %swap3A_72], %add3A_70 {strides = array<i32>} : memref<528x128xf32, #tpu.memory_space<vmem>>, vector<264x128xf32>,
    return
  }
}

module attributes {stable_mosaic.version = 14 : i64} {
  func.func @_counts_body(%arg0: i32, %arg1: memref<1024x8xi32, #tpu.memory_space<vmem>>, %arg2: memref<528x128xf32, #tpu.memory_space<vmem>>, %arg3: memref<1024x128xf32, #tpu.memory_space<vmem>>) attributes {dimension_semantics = [#tpu.dimension_semantics<arbitrary>], iteration_bounds = array<i64: 12>, scalar_prefetch = 0 : i64, scratch_operands = 0 : i64, tpu.core_type = #tpu.core_type<tc>, window_params = [{transform_indices = @transform_0, window_bounds = array<i64: 1024, 8>}, {pipeline_mode = #tpu.pipeline_mode<synchronous>, transform_indices = @transform_1, window_bounds = array<i64: 528, 128>}, {transform_indices = @transform_2, window_bounds = array<i64: 1024, 128>}]} {
    %get3A = arith.constant 0 : index
    %get3A_0 = arith.constant 0 : index
    %get3A_1 = vector.load %arg1[%get3A, %get3A_0] : memref<1024x8xi32, #tpu.memory_space<vmem>>, vector<1024x8xi32>
    %abs3A = math.absi %get3A_1 : vector<1024x8xi32>
    %min3A = arith.constant 256 : i32
    %min3A_2 = vector.broadcast %min3A : i32 to vector<1024x8xi32>
    %min3A_3 = arith.minsi %abs3A, %min3A_2 : vector<1024x8xi32>
    %gt3A = arith.constant 0 : i32
    %gt3A_4 = vector.broadcast %gt3A : i32 to vector<1024x8xi32>
    %gt3A_5 = arith.cmpi sgt, %get3A_1, %gt3A_4 : vector<1024x8xi32>
    %add3A = arith.constant 264 : i32
    %add3A_6 = vector.broadcast %add3A : i32 to vector<1024x8xi32>
    %add3A_7 = arith.addi %min3A_3, %add3A_6 : vector<1024x8xi32>
    %select_n3A = arith.select %gt3A_5, %add3A_7, %min3A_3 : vector<1024x8xi1>, vector<1024x8xi32>
    %iota3A = tpu.iota {dimensions = array<i32: 1>} : vector<1x528xi32>
    %broadcast_in_dim3A = arith.constant 0.000000e+00 : f32
    %broadcast_in_dim3A_8 = vector.broadcast %broadcast_in_dim3A : f32 to vector<1024x528xf32>
    %slice3A = vector.extract_strided_slice %select_n3A {offsets = [0, 0], sizes = [1024, 1], strides = [1, 1]} : vector<1024x8xi32> to vector<1024x1xi32>
    %eq3A = vector.broadcast %slice3A : vector<1024x1xi32> to vector<1024x528xi32>
    %eq3A_9 = vector.broadcast %iota3A : vector<1x528xi32> to vector<1024x528xi32>
    %eq3A_10 = arith.cmpi eq, %eq3A, %eq3A_9 : vector<1024x528xi32>
    %convert_element_type3A = arith.extui %eq3A_10 : vector<1024x528xi1> to vector<1024x528xi32>
    %convert_element_type3A_11 = arith.sitofp %convert_element_type3A : vector<1024x528xi32> to vector<1024x528xf32>
    %add3A_12 = arith.addf %broadcast_in_dim3A_8, %convert_element_type3A_11 : vector<1024x528xf32>
    %slice3A_13 = vector.extract_strided_slice %select_n3A {offsets = [0, 1], sizes = [1024, 1], strides = [1, 1]} : vector<1024x8xi32> to vector<1024x1xi32>
    %eq3A_14 = vector.broadcast %slice3A_13 : vector<1024x1xi32> to vector<1024x528xi32>
    %eq3A_15 = vector.broadcast %iota3A : vector<1x528xi32> to vector<1024x528xi32>
    %eq3A_16 = arith.cmpi eq, %eq3A_14, %eq3A_15 : vector<1024x528xi32>
    %convert_element_type3A_17 = arith.extui %eq3A_16 : vector<1024x528xi1> to vector<1024x528xi32>
    %convert_element_type3A_18 = arith.sitofp %convert_element_type3A_17 : vector<1024x528xi32> to vector<1024x528xf32>
    %add3A_19 = arith.addf %add3A_12, %convert_element_type3A_18 : vector<1024x528xf32>
    %slice3A_20 = vector.extract_strided_slice %select_n3A {offsets = [0, 2], sizes = [1024, 1], strides = [1, 1]} : vector<1024x8xi32> to vector<1024x1xi32>
    %eq3A_21 = vector.broadcast %slice3A_20 : vector<1024x1xi32> to vector<1024x528xi32>
    %eq3A_22 = vector.broadcast %iota3A : vector<1x528xi32> to vector<1024x528xi32>
    %eq3A_23 = arith.cmpi eq, %eq3A_21, %eq3A_22 : vector<1024x528xi32>
    %convert_element_type3A_24 = arith.extui %eq3A_23 : vector<1024x528xi1> to vector<1024x528xi32>
    %convert_element_type3A_25 = arith.sitofp %convert_element_type3A_24 : vector<1024x528xi32> to vector<1024x528xf32>
    %add3A_26 = arith.addf %add3A_19, %convert_element_type3A_25 : vector<1024x528xf32>
    %slice3A_27 = vector.extract_strided_slice %select_n3A {offsets = [0, 3], sizes = [1024, 1], strides = [1, 1]} : vector<1024x8xi32> to vector<1024x1xi32>
    %eq3A_28 = vector.broadcast %slice3A_27 : vector<1024x1xi32> to vector<1024x528xi32>
    %eq3A_29 = vector.broadcast %iota3A : vector<1x528xi32> to vector<1024x528xi32>
    %eq3A_30 = arith.cmpi eq, %eq3A_28, %eq3A_29 : vector<1024x528xi32>
    %convert_element_type3A_31 = arith.extui %eq3A_30 : vector<1024x528xi1> to vector<1024x528xi32>
    %convert_element_type3A_32 = arith.sitofp %convert_element_type3A_31 : vector<1024x528xi32> to vector<1024x528xf32>
    %add3A_33 = arith.addf %add3A_26, %convert_element_type3A_32 : vector<1024x528xf32>
    %slice3A_34 = vector.extract_strided_slice %select_n3A {offsets = [0, 4], sizes = [1024, 1], strides = [1, 1]} : vector<1024x8xi32> to vector<1024x1xi32>
    %eq3A_35 = vector.broadcast %slice3A_34 : vector<1024x1xi32> to vector<1024x528xi32>
    %eq3A_36 = vector.broadcast %iota3A : vector<1x528xi32> to vector<1024x528xi32>
    %eq3A_37 = arith.cmpi eq, %eq3A_35, %eq3A_36 : vector<1024x528xi32>
    %convert_element_type3A_38 = arith.extui %eq3A_37 : vector<1024x528xi1> to vector<1024x528xi32>
    %convert_element_type3A_39 = arith.sitofp %convert_element_type3A_38 : vector<1024x528xi32> to vector<1024x528xf32>
    %add3A_40 = arith.addf %add3A_33, %convert_element_type3A_39 : vector<1024x528xf32>
    %slice3A_41 = vector.extract_strided_slice %select_n3A {offsets = [0, 5], sizes = [1024, 1], strides = [1, 1]} : vector<1024x8xi32> to vector<1024x1xi32>
    %eq3A_42 = vector.broadcast %slice3A_41 : vector<1024x1xi32> to vector<1024x528xi32>
    %eq3A_43 = vector.broadcast %iota3A : vector<1x528xi32> to vector<1024x528xi32>
    %eq3A_44 = arith.cmpi eq, %eq3A_42, %eq3A_43 : vector<1024x528xi32>
    %convert_element_type3A_45 = arith.extui %eq3A_44 : vector<1024x528xi1> to vector<1024x528xi32>
    %convert_element_type3A_46 = arith.sitofp %convert_element_type3A_45 : vector<1024x528xi32> to vector<1024x528xf32>
    %add3A_47 = arith.addf %add3A_40, %convert_element_type3A_46 : vector<1024x528xf32>
    %slice3A_48 = vector.extract_strided_slice %select_n3A {offsets = [0, 6], sizes = [1024, 1], strides = [1, 1]} : vector<1024x8xi32> to vector<1024x1xi32>
    %eq3A_49 = vector.broadcast %slice3A_48 : vector<1024x1xi32> to vector<1024x528xi32>
    %eq3A_50 = vector.broadcast %iota3A : vector<1x528xi32> to vector<1024x528xi32>
    %eq3A_51 = arith.cmpi eq, %eq3A_49, %eq3A_50 : vector<1024x528xi32>
    %convert_element_type3A_52 = arith.extui %eq3A_51 : vector<1024x528xi1> to vector<1024x528xi32>
    %convert_element_type3A_53 = arith.sitofp %convert_element_type3A_52 : vector<1024x528xi32> to vector<1024x528xf32>
    %add3A_54 = arith.addf %add3A_47, %convert_element_type3A_53 : vector<1024x528xf32>
    %slice3A_55 = vector.extract_strided_slice %select_n3A {offsets = [0, 7], sizes = [1024, 1], strides = [1, 1]} : vector<1024x8xi32> to vector<1024x1xi32>
    %eq3A_56 = vector.broadcast %slice3A_55 : vector<1024x1xi32> to vector<1024x528xi32>
    %eq3A_57 = vector.broadcast %iota3A : vector<1x528xi32> to vector<1024x528xi32>
    %eq3A_58 = arith.cmpi eq, %eq3A_56, %eq3A_57 : vector<1024x528xi32>
    %convert_element_type3A_59 = arith.extui %eq3A_58 : vector<1024x528xi1> to vector<1024x528xi32>
    %convert_element_type3A_60 = arith.sitofp %convert_element_type3A_59 : vector<1024x528xi32> to vector<1024x528xf32>
    %add3A_61 = arith.addf %add3A_54, %convert_element_type3A_60 : vector<1024x528xf32>
    %convert_element_type3A_62 = arith.truncf %add3A_61 : vector<1024x528xf32> to vector<1024x528xbf16>
    %get3A_63 = arith.constant 0 : index
    %get3A_64 = arith.constant 0 : index
    %get3A_65 = vector.load %arg2[%get3A_63, %get3A_64] : memref<528x128xf32, #tpu.memory_space<vmem>>, vector<528x128xf32>
    %convert_element_type3A_66 = arith.truncf %get3A_65 : vector<528x128xf32> to vector<528x128xbf16>
    %dot_general3A = arith.constant dense<0.000000e+00> : vector<1024x128xf32>
    %dot_general3A_67 = tpu.matmul %convert_element_type3A_62, %convert_element_type3A_66, %dot_general3A {dimension_numbers = #tpu.dot_dimension_numbers<[1], [0], [0], [1], [0, 0, 1, 1], [], []>, transpose_lhs_hint = false} : vector<1024x528xbf16>, vector<528x128xbf16>, vector<1024x128xf32> -> vector<1024x128xf32>
    %swap3A = arith.constant 0 : index
    %swap3A_68 = arith.constant 0 : index
    %swap3A_69 = vector.load %arg3[%swap3A, %swap3A_68] : memref<1024x128xf32, #tpu.memory_space<vmem>>, vector<1024x128xf32>
    tpu.vector_store %arg3[%swap3A, %swap3A_68], %dot_general3A_67 {strides = array<i32>} : memref<1024x128xf32, #tpu.memory_space<vmem>>, vector<1024x128xf32>,
    return
  }
  func.func @transform_0(%arg0: i32) -> (i32, i32) {
    %c0_i32 = arith.constant 0 : i32
    %c0_i32_0 = arith.constant 0 : i32
    return %arg0, %c0_i32 : i32, i32
  }
  func.func @transform_1(%arg0: i32) -> (i32, i32) {
    %c0_i32 = arith.constant 0 : i32
    %c0_i32_0 = arith.constant 0 : i32
    %c0_i32_1 = arith.constant 0 : i32
    return %c0_i32, %c0_i32_0 : i32, i32
  }
  func.func @transform_2(%arg0: i32) -> (i32, i32) {
    %c0_i32 = arith.constant 0 : i32
    %c0_i32_0 = arith.constant 0 : i32
    return %arg0, %c0_i32 : i32, i32
  }
}

module attributes {stable_mosaic.version = 14 : i64} {
  func.func @_attn_body(%arg0: i32, %arg1: memref<2048x128xf32, #tpu.memory_space<vmem>>, %arg2: memref<32x128xf32, #tpu.memory_space<vmem>>, %arg3: memref<384x128xf32, #tpu.memory_space<vmem>>, %arg4: memref<384xf32, #tpu.memory_space<vmem>>, %arg5: memref<128xf32, #tpu.memory_space<vmem>>, %arg6: memref<128xf32, #tpu.memory_space<vmem>>, %arg7: memref<128x128xf32, #tpu.memory_space<vmem>>, %arg8: memref<128xf32, #tpu.memory_space<vmem>>, %arg9: memref<128xf32, #tpu.memory_space<vmem>>, %arg10: memref<128xf32, #tpu.memory_space<vmem>>, %arg11: memref<1x32x128xf32, #tpu.memory_space<vmem>>) attributes {dimension_semantics = [#tpu.dimension_semantics<arbitrary>], iteration_bounds = array<i64: 6>, scalar_prefetch = 0 : i64, scratch_operands = 0 : i64, tpu.core_type = #tpu.core_type<tc>, window_params = [{transform_indices = @transform_0, window_bounds = array<i64: 2048, 128>}, {pipeline_mode = #tpu.pipeline_mode<synchronous>, transform_indices = @transform_1, window_bounds = array<i64: 32, 128>}, {pipeline_mode = #tpu.pipeline_mode<synchronous>, transform_indices = @transform_2, window_bounds = array<i64: 384, 128>}, {pipeline_mode = #tpu.pipeline_mode<synchronous>, transform_indices = @transform_3, window_bounds = array<i64: 384>}, {pipeline_mode = #tpu.pipeline_mode<synchronous>, transform_indices = @transform_4, window_bounds = array<i64: 128>}, {pipeline_mode = #tpu.pipeline_mode<synchronous>, transform_indices = @transform_5, window_bounds = array<i64: 128>}, {pipeline_mode = #tpu.pipeline_mode<synchronous>, transform_indices = @transform_6, window_bounds = array<i64: 128, 128>}, {pipeline_mode = #tpu.pipeline_mode<synchronous>, transform_indices = @transform_7, window_bounds = array<i64: 128>}, {pipeline_mode = #tpu.pipeline_mode<synchronous>, transform_indices = @transform_8, window_bounds = array<i64: 128>}, {pipeline_mode = #tpu.pipeline_mode<synchronous>, transform_indices = @transform_9, window_bounds = array<i64: 128>}, {transform_indices = @transform_10, window_bounds = array<i64: 1, 32, 128>}]} {
    %get3A = arith.constant 0 : index
    %get3A_0 = arith.constant 0 : index
    %get3A_1 = vector.load %arg1[%get3A, %get3A_0] : memref<2048x128xf32, #tpu.memory_space<vmem>>, vector<2048x128xf32>
    %mul3A = arith.constant 1.250000e-01 : f32
    %mul3A_2 = vector.broadcast %mul3A : f32 to vector<2048x128xf32>
    %mul3A_3 = arith.mulf %get3A_1, %mul3A_2 : vector<2048x128xf32>
    %reduce_sum3A = arith.constant dense<0.000000e+00> : vector<2048xf32>
    %reduce_sum3A_4 = vector.multi_reduction <add>, %mul3A_3, %reduce_sum3A [1] : vector<2048x128xf32> to vector<2048xf32>
    %broadcast_in_dim3A = vector.shape_cast %reduce_sum3A_4 : vector<2048xf32> to vector<2048x1xf32>
    %div3A = arith.constant 1.280000e+02 : f32
    %div3A_5 = vector.broadcast %div3A : f32 to vector<2048x1xf32>
    %div3A_6 = arith.divf %broadcast_in_dim3A, %div3A_5 : vector<2048x1xf32>
    %sub3A = vector.broadcast %div3A_6 : vector<2048x1xf32> to vector<2048x128xf32>
    %sub3A_7 = arith.subf %mul3A_3, %sub3A : vector<2048x128xf32>
    %integer_pow3A = arith.mulf %sub3A_7, %sub3A_7 : vector<2048x128xf32>
    %reduce_sum3A_8 = arith.constant dense<0.000000e+00> : vector<2048xf32>
    %reduce_sum3A_9 = vector.multi_reduction <add>, %integer_pow3A, %reduce_sum3A_8 [1] : vector<2048x128xf32> to vector<2048xf32>
    %broadcast_in_dim3A_10 = vector.shape_cast %reduce_sum3A_9 : vector<2048xf32> to vector<2048x1xf32>
    %div3A_11 = arith.constant 1.280000e+02 : f32
    %div3A_12 = vector.broadcast %div3A_11 : f32 to vector<2048x1xf32>
    %div3A_13 = arith.divf %broadcast_in_dim3A_10, %div3A_12 : vector<2048x1xf32>
    %sub3A_14 = vector.broadcast %div3A_6 : vector<2048x1xf32> to vector<2048x128xf32>
    %sub3A_15 = arith.subf %mul3A_3, %sub3A_14 : vector<2048x128xf32>
    %add3A = arith.constant 9.99999974E-6 : f32
    %add3A_16 = vector.broadcast %add3A : f32 to vector<2048x1xf32>
    %add3A_17 = arith.addf %div3A_13, %add3A_16 : vector<2048x1xf32>
    %rsqrt3A = math.rsqrt %add3A_17 : vector<2048x1xf32>
    %mul3A_18 = vector.broadcast %rsqrt3A : vector<2048x1xf32> to vector<2048x128xf32>
    %mul3A_19 = arith.mulf %sub3A_15, %mul3A_18 : vector<2048x128xf32>
    %get3A_20 = arith.constant 0 : index
    %get3A_21 = vector.load %arg5[%get3A_20] : memref<128xf32, #tpu.memory_space<vmem>>, vector<128xf32>
    %broadcast_in_dim3A_22 = vector.shape_cast %get3A_21 : vector<128xf32> to vector<1x128xf32>
    %mul3A_23 = vector.broadcast %broadcast_in_dim3A_22 : vector<1x128xf32> to vector<2048x128xf32>
    %mul3A_24 = arith.mulf %mul3A_19, %mul3A_23 : vector<2048x128xf32>
    %get3A_25 = arith.constant 0 : index
    %get3A_26 = vector.load %arg6[%get3A_25] : memref<128xf32, #tpu.memory_space<vmem>>, vector<128xf32>
    %broadcast_in_dim3A_27 = vector.shape_cast %get3A_26 : vector<128xf32> to vector<1x128xf32>
    %add3A_28 = vector.broadcast %broadcast_in_dim3A_27 : vector<1x128xf32> to vector<2048x128xf32>
    %add3A_29 = arith.addf %mul3A_24, %add3A_28 : vector<2048x128xf32>
    %convert_element_type3A = arith.truncf %add3A_29 : vector<2048x128xf32> to vector<2048x128xbf16>
    %get3A_30 = arith.constant 0 : index
    %get3A_31 = arith.constant 0 : index
    %get3A_32 = vector.load %arg3[%get3A_30, %get3A_31] : memref<384x128xf32, #tpu.memory_space<vmem>>, vector<384x128xf32>
    %convert_element_type3A_33 = arith.truncf %get3A_32 : vector<384x128xf32> to vector<384x128xbf16>
    %slice3A = vector.extract_strided_slice %convert_element_type3A_33 {offsets = [128, 0], sizes = [128, 128], strides = [1, 1]} : vector<384x128xbf16> to vector<128x128xbf16>
    %dot_general3A = arith.constant dense<0.000000e+00> : vector<2048x128xf32>
    %dot_general3A_34 = tpu.matmul %convert_element_type3A, %slice3A, %dot_general3A {dimension_numbers = #tpu.dot_dimension_numbers<[1], [1], [0], [0], [0, 0, 1, 0], [], []>, transpose_lhs_hint = false} : vector<2048x128xbf16>, vector<128x128xbf16>, vector<2048x128xf32> -> vector<2048x128xf32>
    %get3A_35 = arith.constant 128 : index
    %get3A_36 = vector.load %arg4[%get3A_35] : memref<384xf32, #tpu.memory_space<vmem>>, vector<128xf32>
    %broadcast_in_dim3A_37 = vector.shape_cast %get3A_36 : vector<128xf32> to vector<1x128xf32>
    %add3A_38 = vector.broadcast %broadcast_in_dim3A_37 : vector<1x128xf32> to vector<2048x128xf32>
    %add3A_39 = arith.addf %dot_general3A_34, %add3A_38 : vector<2048x128xf32>
    %slice3A_40 = vector.extract_strided_slice %convert_element_type3A_33 {offsets = [256, 0], sizes = [128, 128], strides = [1, 1]} : vector<384x128xbf16> to vector<128x128xbf16>
    %dot_general3A_41 = arith.constant dense<0.000000e+00> : vector<2048x128xf32>
    %dot_general3A_42 = tpu.matmul %convert_element_type3A, %slice3A_40, %dot_general3A_41 {dimension_numbers = #tpu.dot_dimension_numbers<[1], [1], [0], [0], [0, 0, 1, 0], [], []>, transpose_lhs_hint = false} : vector<2048x128xbf16>, vector<128x128xbf16>, vector<2048x128xf32> -> vector<2048x128xf32>
    %get3A_43 = arith.constant 256 : index
    %get3A_44 = vector.load %arg4[%get3A_43] : memref<384xf32, #tpu.memory_space<vmem>>, vector<128xf32>
    %broadcast_in_dim3A_45 = vector.shape_cast %get3A_44 : vector<128xf32> to vector<1x128xf32>
    %add3A_46 = vector.broadcast %broadcast_in_dim3A_45 : vector<1x128xf32> to vector<2048x128xf32>
    %add3A_47 = arith.addf %dot_general3A_42, %add3A_46 : vector<2048x128xf32>
    %get3A_48 = arith.constant 0 : index
    %get3A_49 = arith.constant 0 : index
    %get3A_50 = vector.load %arg2[%get3A_48, %get3A_49] : memref<32x128xf32, #tpu.memory_space<vmem>>, vector<32x128xf32>
    %get3A_51 = arith.constant 0 : index
    %get3A_52 = arith.constant 0 : index
    %get3A_53 = vector.load %arg3[%get3A_51, %get3A_52] : memref<384x128xf32, #tpu.memory_space<vmem>>, vector<128x128xf32>
    %dot_general3A_54 = arith.constant dense<0.000000e+00> : vector<32x128xf32>
    %dot_general3A_55 = tpu.matmul %get3A_50, %get3A_53, %dot_general3A_54 {dimension_numbers = #tpu.dot_dimension_numbers<[1], [1], [0], [0], [0, 0, 1, 0], [], []>, transpose_lhs_hint = false} : vector<32x128xf32>, vector<128x128xf32>, vector<32x128xf32> -> vector<32x128xf32>
    %get3A_56 = arith.constant 0 : index
    %get3A_57 = vector.load %arg4[%get3A_56] : memref<384xf32, #tpu.memory_space<vmem>>, vector<128xf32>
    %broadcast_in_dim3A_58 = vector.shape_cast %get3A_57 : vector<128xf32> to vector<1x128xf32>
    %add3A_59 = vector.broadcast %broadcast_in_dim3A_58 : vector<1x128xf32> to vector<32x128xf32>
    %add3A_60 = arith.addf %dot_general3A_55, %add3A_59 : vector<32x128xf32>
    %broadcast_in_dim3A_61 = vector.shape_cast %add3A_60 : vector<32x128xf32> to vector<1x32x128xf32>
    %broadcast_in_dim3A_62 = vector.shape_cast %broadcast_in_dim3A_61 : vector<1x32x128xf32> to vector<1x32x128xf32>
    %broadcast_in_dim3A_63 = vector.broadcast %broadcast_in_dim3A_62 : vector<1x32x128xf32> to vector<8x32x128xf32>
    %reshape3A = vector.shape_cast %broadcast_in_dim3A_63 : vector<8x32x128xf32> to vector<256x128xf32>
    %iota3A = tpu.iota {dimensions = array<i32: 0>} : vector<256x128xi32>
    %iota3A_64 = tpu.iota {dimensions = array<i32: 1>} : vector<256x128xi32>
    %jit3A = arith.constant 16 : i32
    %div3A_65 = vector.broadcast %jit3A : i32 to vector<256x128xi32>
    %div3A_66 = arith.divsi %iota3A_64, %div3A_65 : vector<256x128xi32>
    %sign3A = arith.constant 0 : i32
    %sign3A_67 = vector.broadcast %sign3A : i32 to vector<256x128xi32>
    %sign3A_68 = arith.cmpi sgt, %iota3A_64, %sign3A_67 : vector<256x128xi32>
    %sign3A_69 = arith.extui %sign3A_68 : vector<256x128xi1> to vector<256x128xi32>
    %sign3A_70 = arith.constant 0 : i32
    %sign3A_71 = vector.broadcast %sign3A_70 : i32 to vector<256x128xi32>
    %sign3A_72 = arith.cmpi slt, %iota3A_64, %sign3A_71 : vector<256x128xi32>
    %sign3A_73 = arith.extui %sign3A_72 : vector<256x128xi1> to vector<256x128xi32>
    %sign3A_74 = arith.subi %sign3A_69, %sign3A_73 : vector<256x128xi32>
    %sign3A_75 = arith.constant 0 : i32
    %sign3A_76 = arith.cmpi sgt, %jit3A, %sign3A_75 : i32
    %sign3A_77 = arith.extui %sign3A_76 : i1 to i32
    %sign3A_78 = arith.constant 0 : i32
    %sign3A_79 = arith.cmpi slt, %jit3A, %sign3A_78 : i32
    %sign3A_80 = arith.extui %sign3A_79 : i1 to i32
    %sign3A_81 = arith.subi %sign3A_77, %sign3A_80 : i32
    %ne3A = vector.broadcast %sign3A_81 : i32 to vector<256x128xi32>
    %ne3A_82 = arith.cmpi ne, %sign3A_74, %ne3A : vector<256x128xi32>
    %rem3A = vector.broadcast %jit3A : i32 to vector<256x128xi32>
    %rem3A_83 = arith.remsi %iota3A_64, %rem3A : vector<256x128xi32>
    %ne3A_84 = arith.constant 0 : i32
    %ne3A_85 = vector.broadcast %ne3A_84 : i32 to vector<256x128xi32>
    %ne3A_86 = arith.cmpi ne, %rem3A_83, %ne3A_85 : vector<256x128xi32>
    %and3A = arith.andi %ne3A_82, %ne3A_86 : vector<256x128xi1>
    %sub3A_87 = arith.constant 1 : i32
    %sub3A_88 = vector.broadcast %sub3A_87 : i32 to vector<256x128xi32>
    %sub3A_89 = arith.subi %div3A_66, %sub3A_88 : vector<256x128xi32>
    %select_n3A = arith.select %and3A, %sub3A_89, %div3A_66 : vector<256x128xi1>, vector<256x128xi32>
    %jit3A_90 = arith.constant 32 : i32
    %div3A_91 = vector.broadcast %jit3A_90 : i32 to vector<256x128xi32>
    %div3A_92 = arith.divsi %iota3A, %div3A_91 : vector<256x128xi32>
    %sign3A_93 = arith.constant 0 : i32
    %sign3A_94 = vector.broadcast %sign3A_93 : i32 to vector<256x128xi32>
    %sign3A_95 = arith.cmpi sgt, %iota3A, %sign3A_94 : vector<256x128xi32>
    %sign3A_96 = arith.extui %sign3A_95 : vector<256x128xi1> to vector<256x128xi32>
    %sign3A_97 = arith.constant 0 : i32
    %sign3A_98 = vector.broadcast %sign3A_97 : i32 to vector<256x128xi32>
    %sign3A_99 = arith.cmpi slt, %iota3A, %sign3A_98 : vector<256x128xi32>
    %sign3A_100 = arith.extui %sign3A_99 : vector<256x128xi1> to vector<256x128xi32>
    %sign3A_101 = arith.subi %sign3A_96, %sign3A_100 : vector<256x128xi32>
    %sign3A_102 = arith.constant 0 : i32
    %sign3A_103 = arith.cmpi sgt, %jit3A_90, %sign3A_102 : i32
    %sign3A_104 = arith.extui %sign3A_103 : i1 to i32
    %sign3A_105 = arith.constant 0 : i32
    %sign3A_106 = arith.cmpi slt, %jit3A_90, %sign3A_105 : i32
    %sign3A_107 = arith.extui %sign3A_106 : i1 to i32
    %sign3A_108 = arith.subi %sign3A_104, %sign3A_107 : i32
    %ne3A_109 = vector.broadcast %sign3A_108 : i32 to vector<256x128xi32>
    %ne3A_110 = arith.cmpi ne, %sign3A_101, %ne3A_109 : vector<256x128xi32>
    %rem3A_111 = vector.broadcast %jit3A_90 : i32 to vector<256x128xi32>
    %rem3A_112 = arith.remsi %iota3A, %rem3A_111 : vector<256x128xi32>
    %ne3A_113 = arith.constant 0 : i32
    %ne3A_114 = vector.broadcast %ne3A_113 : i32 to vector<256x128xi32>
    %ne3A_115 = arith.cmpi ne, %rem3A_112, %ne3A_114 : vector<256x128xi32>
    %and3A_116 = arith.andi %ne3A_110, %ne3A_115 : vector<256x128xi1>
    %sub3A_117 = arith.constant 1 : i32
    %sub3A_118 = vector.broadcast %sub3A_117 : i32 to vector<256x128xi32>
    %sub3A_119 = arith.subi %div3A_92, %sub3A_118 : vector<256x128xi32>
    %select_n3A_120 = arith.select %and3A_116, %sub3A_119, %div3A_92 : vector<256x128xi1>, vector<256x128xi32>
    %eq3A = arith.cmpi eq, %select_n3A, %select_n3A_120 : vector<256x128xi32>
    %convert_element_type3A_121 = arith.extui %eq3A : vector<256x128xi1> to vector<256x128xi32>
    %convert_element_type3A_122 = arith.sitofp %convert_element_type3A_121 : vector<256x128xi32> to vector<256x128xf32>
    %mul3A_123 = arith.mulf %reshape3A, %convert_element_type3A_122 : vector<256x128xf32>
    %convert_element_type3A_124 = arith.truncf %mul3A_123 : vector<256x128xf32> to vector<256x128xbf16>
    %convert_element_type3A_125 = arith.truncf %add3A_39 : vector<2048x128xf32> to vector<2048x128xbf16>
    %dot_general3A_126 = arith.constant dense<0.000000e+00> : vector<256x2048xf32>
    %dot_general3A_127 = tpu.matmul %convert_element_type3A_124, %convert_element_type3A_125, %dot_general3A_126 {dimension_numbers = #tpu.dot_dimension_numbers<[1], [1], [0], [0], [0, 0, 1, 0], [], []>, transpose_lhs_hint = false} : vector<256x128xbf16>, vector<2048x128xbf16>, vector<256x2048xf32> -> vector<256x2048xf32>
    %mul3A_128 = arith.constant 2.500000e-01 : f32
    %mul3A_129 = vector.broadcast %mul3A_128 : f32 to vector<256x2048xf32>
    %mul3A_130 = arith.mulf %dot_general3A_127, %mul3A_129 : vector<256x2048xf32>
    %reduce_max3A = arith.constant dense<0xFF800000> : vector<256xf32>
    %reduce_max3A_131 = vector.multi_reduction <maximumf>, %mul3A_130, %reduce_max3A [1] : vector<256x2048xf32> to vector<256xf32>
    %broadcast_in_dim3A_132 = vector.shape_cast %reduce_max3A_131 : vector<256xf32> to vector<256x1xf32>
    %sub3A_133 = vector.broadcast %broadcast_in_dim3A_132 : vector<256x1xf32> to vector<256x2048xf32>
    %sub3A_134 = arith.subf %mul3A_130, %sub3A_133 : vector<256x2048xf32>
    %exp3A = math.exp %sub3A_134 : vector<256x2048xf32>
    %reduce_sum3A_135 = arith.constant dense<0.000000e+00> : vector<256xf32>
    %reduce_sum3A_136 = vector.multi_reduction <add>, %exp3A, %reduce_sum3A_135 [1] : vector<256x2048xf32> to vector<256xf32>
    %broadcast_in_dim3A_137 = vector.shape_cast %reduce_sum3A_136 : vector<256xf32> to vector<256x1xf32>
    %div3A_138 = vector.broadcast %broadcast_in_dim3A_137 : vector<256x1xf32> to vector<256x2048xf32>
    %div3A_139 = arith.divf %exp3A, %div3A_138 : vector<256x2048xf32>
    %convert_element_type3A_140 = arith.truncf %div3A_139 : vector<256x2048xf32> to vector<256x2048xbf16>
    %convert_element_type3A_141 = arith.truncf %add3A_47 : vector<2048x128xf32> to vector<2048x128xbf16>
    %dot_general3A_142 = arith.constant dense<0.000000e+00> : vector<256x128xf32>
    %dot_general3A_143 = tpu.matmul %convert_element_type3A_140, %convert_element_type3A_141, %dot_general3A_142 {dimension_numbers = #tpu.dot_dimension_numbers<[1], [0], [0], [1], [0, 0, 1, 1], [], []>, transpose_lhs_hint = false} : vector<256x2048xbf16>, vector<2048x128xbf16>, vector<256x128xf32> -> vector<256x128xf32>
    %mul3A_144 = arith.mulf %dot_general3A_143, %convert_element_type3A_122 : vector<256x128xf32>
    %reshape3A_145 = vector.shape_cast %mul3A_144 : vector<256x128xf32> to vector<8x32x128xf32>
    %reduce_sum3A_146 = arith.constant dense<0.000000e+00> : vector<32x128xf32>
    %reduce_sum3A_147 = vector.multi_reduction <add>, %reshape3A_145, %reduce_sum3A_146 [0] : vector<8x32x128xf32> to vector<32x128xf32>
    %get3A_148 = arith.constant 0 : index
    %get3A_149 = arith.constant 0 : index
    %get3A_150 = vector.load %arg7[%get3A_148, %get3A_149] : memref<128x128xf32, #tpu.memory_space<vmem>>, vector<128x128xf32>
    %dot_general3A_151 = arith.constant dense<0.000000e+00> : vector<32x128xf32>
    %dot_general3A_152 = tpu.matmul %reduce_sum3A_147, %get3A_150, %dot_general3A_151 {dimension_numbers = #tpu.dot_dimension_numbers<[1], [1], [0], [0], [0, 0, 1, 0], [], []>, transpose_lhs_hint = false} : vector<32x128xf32>, vector<128x128xf32>, vector<32x128xf32> -> vector<32x128xf32>
    %get3A_153 = arith.constant 0 : index
    %get3A_154 = vector.load %arg8[%get3A_153] : memref<128xf32, #tpu.memory_space<vmem>>, vector<128xf32>
    %broadcast_in_dim3A_155 = vector.shape_cast %get3A_154 : vector<128xf32> to vector<1x128xf32>
    %add3A_156 = vector.broadcast %broadcast_in_dim3A_155 : vector<1x128xf32> to vector<32x128xf32>
    %add3A_157 = arith.addf %dot_general3A_152, %add3A_156 : vector<32x128xf32>
    %add3A_158 = arith.addf %get3A_50, %add3A_157 : vector<32x128xf32>
    %reduce_sum3A_159 = arith.constant dense<0.000000e+00> : vector<32xf32>
    %reduce_sum3A_160 = vector.multi_reduction <add>, %add3A_158, %reduce_sum3A_159 [1] : vector<32x128xf32> to vector<32xf32>
    %broadcast_in_dim3A_161 = vector.shape_cast %reduce_sum3A_160 : vector<32xf32> to vector<32x1xf32>
    %div3A_162 = arith.constant 1.280000e+02 : f32
    %div3A_163 = vector.broadcast %div3A_162 : f32 to vector<32x1xf32>
    %div3A_164 = arith.divf %broadcast_in_dim3A_161, %div3A_163 : vector<32x1xf32>
    %sub3A_165 = vector.broadcast %div3A_164 : vector<32x1xf32> to vector<32x128xf32>
    %sub3A_166 = arith.subf %add3A_158, %sub3A_165 : vector<32x128xf32>
    %integer_pow3A_167 = arith.mulf %sub3A_166, %sub3A_166 : vector<32x128xf32>
    %reduce_sum3A_168 = arith.constant dense<0.000000e+00> : vector<32xf32>
    %reduce_sum3A_169 = vector.multi_reduction <add>, %integer_pow3A_167, %reduce_sum3A_168 [1] : vector<32x128xf32> to vector<32xf32>
    %broadcast_in_dim3A_170 = vector.shape_cast %reduce_sum3A_169 : vector<32xf32> to vector<32x1xf32>
    %div3A_171 = arith.constant 1.280000e+02 : f32
    %div3A_172 = vector.broadcast %div3A_171 : f32 to vector<32x1xf32>
    %div3A_173 = arith.divf %broadcast_in_dim3A_170, %div3A_172 : vector<32x1xf32>
    %sub3A_174 = vector.broadcast %div3A_164 : vector<32x1xf32> to vector<32x128xf32>
    %sub3A_175 = arith.subf %add3A_158, %sub3A_174 : vector<32x128xf32>
    %add3A_176 = arith.constant 9.99999974E-6 : f32
    %add3A_177 = vector.broadcast %add3A_176 : f32 to vector<32x1xf32>
    %add3A_178 = arith.addf %div3A_173, %add3A_177 : vector<32x1xf32>
    %rsqrt3A_179 = math.rsqrt %add3A_178 : vector<32x1xf32>
    %mul3A_180 = vector.broadcast %rsqrt3A_179 : vector<32x1xf32> to vector<32x128xf32>
    %mul3A_181 = arith.mulf %sub3A_175, %mul3A_180 : vector<32x128xf32>
    %get3A_182 = arith.constant 0 : index
    %get3A_183 = vector.load %arg9[%get3A_182] : memref<128xf32, #tpu.memory_space<vmem>>, vector<128xf32>
    %broadcast_in_dim3A_184 = vector.shape_cast %get3A_183 : vector<128xf32> to vector<1x128xf32>
    %mul3A_185 = vector.broadcast %broadcast_in_dim3A_184 : vector<1x128xf32> to vector<32x128xf32>
    %mul3A_186 = arith.mulf %mul3A_181, %mul3A_185 : vector<32x128xf32>
    %get3A_187 = arith.constant 0 : index
    %get3A_188 = vector.load %arg10[%get3A_187] : memref<128xf32, #tpu.memory_space<vmem>>, vector<128xf32>
    %broadcast_in_dim3A_189 = vector.shape_cast %get3A_188 : vector<128xf32> to vector<1x128xf32>
    %add3A_190 = vector.broadcast %broadcast_in_dim3A_189 : vector<1x128xf32> to vector<32x128xf32>
    %add3A_191 = arith.addf %mul3A_186, %add3A_190 : vector<32x128xf32>
    %swap3A = arith.constant 0 : index
    %swap3A_192 = arith.constant 0 : index
    %swap3A_193 = arith.constant 0 : index
    %swap3A_194 = vector.load %arg11[%swap3A, %swap3A_192, %swap3A_193] : memref<1x32x128xf32, #tpu.memory_space<vmem>>, vector<1x32x128xf32>
    %swap3A_195 = vector.shape_cast %swap3A_194 : vector<1x32x128xf32> to vector<32x128xf32>
    %swap3A_196 = vector.shape_cast %add3A_191 : vector<32x128xf32> to vector<1x32x128xf32>
    tpu.vector_store %arg11[%swap3A, %swap3A_192, %swap3A_193], %swap3A_196 {strides = array<i32>} : memref<1x32x128xf32, #tpu.memory_space<vmem>>, vector<1x32x128xf32>,
    return
  }
  func.func @transform_0(%arg0: i32) -> (i32, i32) {
    %c0_i32 = arith.constant 0 : i32
    %c0_i32_0 = arith.constant 0 : i32
    return %arg0, %c0_i32 : i32, i32
  }
  func.func @transform_1(%arg0: i32) -> (i32, i32) {
    %c0_i32 = arith.constant 0 : i32
    %c0_i32_0 = arith.constant 0 : i32
    %c0_i32_1 = arith.constant 0 : i32
    return %c0_i32, %c0_i32_0 : i32, i32
  }
  func.func @transform_2(%arg0: i32) -> (i32, i32) {
    %c0_i32 = arith.constant 0 : i32
    %c0_i32_0 = arith.constant 0 : i32
    %c0_i32_1 = arith.constant 0 : i32
    return %c0_i32, %c0_i32_0 : i32, i32
  }
  func.func @transform_3(%arg0: i32) -> i32 {
    %c0_i32 = arith.constant 0 : i32
    %c0_i32_0 = arith.constant 0 : i32
    return %c0_i32 : i32
  }
  func.func @transform_4(%arg0: i32) -> i32 {
    %c0_i32 = arith.constant 0 : i32
    %c0_i32_0 = arith.constant 0 : i32
    return %c0_i32 : i32
  }
  func.func @transform_5(%arg0: i32) -> i32 {
    %c0_i32 = arith.constant 0 : i32
    %c0_i32_0 = arith.constant 0 : i32
    return %c0_i32 : i32
  }
  func.func @transform_6(%arg0: i32) -> (i32, i32) {
    %c0_i32 = arith.constant 0 : i32
    %c0_i32_0 = arith.constant 0 : i32
    %c0_i32_1 = arith.constant 0 : i32
    return %c0_i32, %c0_i32_0 : i32, i32
  }
  func.func @transform_7(%arg0: i32) -> i32 {
    %c0_i32 = arith.constant 0 : i32
    %c0_i32_0 = arith.constant 0 : i32
    return %c0_i32 : i32
  }
  func.func @transform_8(%arg0: i32) -> i32 {
    %c0_i32 = arith.constant 0 : i32
    %c0_i32_0 = arith.constant 0 : i32
    return %c0_i32 : i32
  }
  func.func @transform_9(%arg0: i32) -> i32 {
    %c0_i32 = arith.constant 0 : i32
    %c0_i32_0 = arith.constant 0 : i32
    return %c0_i32 : i32
  }
  func.func @transform_10(%arg0: i32) -> (i32, i32, i32) {
    %c0_i32 = arith.constant 0 : i32
    %c0_i32_0 = arith.constant 0 : i32
    %c0_i32_1 = arith.constant 0 : i32
    return %arg0, %c0_i32, %c0_i32_0 : i32, i32, i32
  }
}

module attributes {stable_mosaic.version = 14 : i64} {
  func.func @_attn_body(%arg0: i32, %arg1: memref<2048x128xf32, #tpu.memory_space<vmem>>, %arg2: memref<32x128xf32, #tpu.memory_space<vmem>>, %arg3: memref<384x128xf32, #tpu.memory_space<vmem>>, %arg4: memref<384xf32, #tpu.memory_space<vmem>>, %arg5: memref<128xf32, #tpu.memory_space<vmem>>, %arg6: memref<128xf32, #tpu.memory_space<vmem>>, %arg7: memref<128x128xf32, #tpu.memory_space<vmem>>, %arg8: memref<128xf32, #tpu.memory_space<vmem>>, %arg9: memref<128xf32, #tpu.memory_space<vmem>>, %arg10: memref<128xf32, #tpu.memory_space<vmem>>, %arg11: memref<1x32x128xf32, #tpu.memory_space<vmem>>) attributes {dimension_semantics = [#tpu.dimension_semantics<arbitrary>], iteration_bounds = array<i64: 2>, scalar_prefetch = 0 : i64, scratch_operands = 0 : i64, tpu.core_type = #tpu.core_type<tc>, window_params = [{transform_indices = @transform_0, window_bounds = array<i64: 2048, 128>}, {pipeline_mode = #tpu.pipeline_mode<synchronous>, transform_indices = @transform_1, window_bounds = array<i64: 32, 128>}, {pipeline_mode = #tpu.pipeline_mode<synchronous>, transform_indices = @transform_2, window_bounds = array<i64: 384, 128>}, {pipeline_mode = #tpu.pipeline_mode<synchronous>, transform_indices = @transform_3, window_bounds = array<i64: 384>}, {pipeline_mode = #tpu.pipeline_mode<synchronous>, transform_indices = @transform_4, window_bounds = array<i64: 128>}, {pipeline_mode = #tpu.pipeline_mode<synchronous>, transform_indices = @transform_5, window_bounds = array<i64: 128>}, {pipeline_mode = #tpu.pipeline_mode<synchronous>, transform_indices = @transform_6, window_bounds = array<i64: 128, 128>}, {pipeline_mode = #tpu.pipeline_mode<synchronous>, transform_indices = @transform_7, window_bounds = array<i64: 128>}, {pipeline_mode = #tpu.pipeline_mode<synchronous>, transform_indices = @transform_8, window_bounds = array<i64: 128>}, {pipeline_mode = #tpu.pipeline_mode<synchronous>, transform_indices = @transform_9, window_bounds = array<i64: 128>}, {transform_indices = @transform_10, window_bounds = array<i64: 1, 32, 128>}]} {
    %get3A = arith.constant 0 : index
    %get3A_0 = arith.constant 0 : index
    %get3A_1 = vector.load %arg1[%get3A, %get3A_0] : memref<2048x128xf32, #tpu.memory_space<vmem>>, vector<2048x128xf32>
    %mul3A = arith.constant 1.250000e-01 : f32
    %mul3A_2 = vector.broadcast %mul3A : f32 to vector<2048x128xf32>
    %mul3A_3 = arith.mulf %get3A_1, %mul3A_2 : vector<2048x128xf32>
    %reduce_sum3A = arith.constant dense<0.000000e+00> : vector<2048xf32>
    %reduce_sum3A_4 = vector.multi_reduction <add>, %mul3A_3, %reduce_sum3A [1] : vector<2048x128xf32> to vector<2048xf32>
    %broadcast_in_dim3A = vector.shape_cast %reduce_sum3A_4 : vector<2048xf32> to vector<2048x1xf32>
    %div3A = arith.constant 1.280000e+02 : f32
    %div3A_5 = vector.broadcast %div3A : f32 to vector<2048x1xf32>
    %div3A_6 = arith.divf %broadcast_in_dim3A, %div3A_5 : vector<2048x1xf32>
    %sub3A = vector.broadcast %div3A_6 : vector<2048x1xf32> to vector<2048x128xf32>
    %sub3A_7 = arith.subf %mul3A_3, %sub3A : vector<2048x128xf32>
    %integer_pow3A = arith.mulf %sub3A_7, %sub3A_7 : vector<2048x128xf32>
    %reduce_sum3A_8 = arith.constant dense<0.000000e+00> : vector<2048xf32>
    %reduce_sum3A_9 = vector.multi_reduction <add>, %integer_pow3A, %reduce_sum3A_8 [1] : vector<2048x128xf32> to vector<2048xf32>
    %broadcast_in_dim3A_10 = vector.shape_cast %reduce_sum3A_9 : vector<2048xf32> to vector<2048x1xf32>
    %div3A_11 = arith.constant 1.280000e+02 : f32
    %div3A_12 = vector.broadcast %div3A_11 : f32 to vector<2048x1xf32>
    %div3A_13 = arith.divf %broadcast_in_dim3A_10, %div3A_12 : vector<2048x1xf32>
    %sub3A_14 = vector.broadcast %div3A_6 : vector<2048x1xf32> to vector<2048x128xf32>
    %sub3A_15 = arith.subf %mul3A_3, %sub3A_14 : vector<2048x128xf32>
    %add3A = arith.constant 9.99999974E-6 : f32
    %add3A_16 = vector.broadcast %add3A : f32 to vector<2048x1xf32>
    %add3A_17 = arith.addf %div3A_13, %add3A_16 : vector<2048x1xf32>
    %rsqrt3A = math.rsqrt %add3A_17 : vector<2048x1xf32>
    %mul3A_18 = vector.broadcast %rsqrt3A : vector<2048x1xf32> to vector<2048x128xf32>
    %mul3A_19 = arith.mulf %sub3A_15, %mul3A_18 : vector<2048x128xf32>
    %get3A_20 = arith.constant 0 : index
    %get3A_21 = vector.load %arg5[%get3A_20] : memref<128xf32, #tpu.memory_space<vmem>>, vector<128xf32>
    %broadcast_in_dim3A_22 = vector.shape_cast %get3A_21 : vector<128xf32> to vector<1x128xf32>
    %mul3A_23 = vector.broadcast %broadcast_in_dim3A_22 : vector<1x128xf32> to vector<2048x128xf32>
    %mul3A_24 = arith.mulf %mul3A_19, %mul3A_23 : vector<2048x128xf32>
    %get3A_25 = arith.constant 0 : index
    %get3A_26 = vector.load %arg6[%get3A_25] : memref<128xf32, #tpu.memory_space<vmem>>, vector<128xf32>
    %broadcast_in_dim3A_27 = vector.shape_cast %get3A_26 : vector<128xf32> to vector<1x128xf32>
    %add3A_28 = vector.broadcast %broadcast_in_dim3A_27 : vector<1x128xf32> to vector<2048x128xf32>
    %add3A_29 = arith.addf %mul3A_24, %add3A_28 : vector<2048x128xf32>
    %convert_element_type3A = arith.truncf %add3A_29 : vector<2048x128xf32> to vector<2048x128xbf16>
    %get3A_30 = arith.constant 0 : index
    %get3A_31 = arith.constant 0 : index
    %get3A_32 = vector.load %arg3[%get3A_30, %get3A_31] : memref<384x128xf32, #tpu.memory_space<vmem>>, vector<384x128xf32>
    %convert_element_type3A_33 = arith.truncf %get3A_32 : vector<384x128xf32> to vector<384x128xbf16>
    %slice3A = vector.extract_strided_slice %convert_element_type3A_33 {offsets = [128, 0], sizes = [128, 128], strides = [1, 1]} : vector<384x128xbf16> to vector<128x128xbf16>
    %dot_general3A = arith.constant dense<0.000000e+00> : vector<2048x128xf32>
    %dot_general3A_34 = tpu.matmul %convert_element_type3A, %slice3A, %dot_general3A {dimension_numbers = #tpu.dot_dimension_numbers<[1], [1], [0], [0], [0, 0, 1, 0], [], []>, transpose_lhs_hint = false} : vector<2048x128xbf16>, vector<128x128xbf16>, vector<2048x128xf32> -> vector<2048x128xf32>
    %get3A_35 = arith.constant 128 : index
    %get3A_36 = vector.load %arg4[%get3A_35] : memref<384xf32, #tpu.memory_space<vmem>>, vector<128xf32>
    %broadcast_in_dim3A_37 = vector.shape_cast %get3A_36 : vector<128xf32> to vector<1x128xf32>
    %add3A_38 = vector.broadcast %broadcast_in_dim3A_37 : vector<1x128xf32> to vector<2048x128xf32>
    %add3A_39 = arith.addf %dot_general3A_34, %add3A_38 : vector<2048x128xf32>
    %slice3A_40 = vector.extract_strided_slice %convert_element_type3A_33 {offsets = [256, 0], sizes = [128, 128], strides = [1, 1]} : vector<384x128xbf16> to vector<128x128xbf16>
    %dot_general3A_41 = arith.constant dense<0.000000e+00> : vector<2048x128xf32>
    %dot_general3A_42 = tpu.matmul %convert_element_type3A, %slice3A_40, %dot_general3A_41 {dimension_numbers = #tpu.dot_dimension_numbers<[1], [1], [0], [0], [0, 0, 1, 0], [], []>, transpose_lhs_hint = false} : vector<2048x128xbf16>, vector<128x128xbf16>, vector<2048x128xf32> -> vector<2048x128xf32>
    %get3A_43 = arith.constant 256 : index
    %get3A_44 = vector.load %arg4[%get3A_43] : memref<384xf32, #tpu.memory_space<vmem>>, vector<128xf32>
    %broadcast_in_dim3A_45 = vector.shape_cast %get3A_44 : vector<128xf32> to vector<1x128xf32>
    %add3A_46 = vector.broadcast %broadcast_in_dim3A_45 : vector<1x128xf32> to vector<2048x128xf32>
    %add3A_47 = arith.addf %dot_general3A_42, %add3A_46 : vector<2048x128xf32>
    %get3A_48 = arith.constant 0 : index
    %get3A_49 = arith.constant 0 : index
    %get3A_50 = vector.load %arg2[%get3A_48, %get3A_49] : memref<32x128xf32, #tpu.memory_space<vmem>>, vector<32x128xf32>
    %get3A_51 = arith.constant 0 : index
    %get3A_52 = arith.constant 0 : index
    %get3A_53 = vector.load %arg3[%get3A_51, %get3A_52] : memref<384x128xf32, #tpu.memory_space<vmem>>, vector<128x128xf32>
    %dot_general3A_54 = arith.constant dense<0.000000e+00> : vector<32x128xf32>
    %dot_general3A_55 = tpu.matmul %get3A_50, %get3A_53, %dot_general3A_54 {dimension_numbers = #tpu.dot_dimension_numbers<[1], [1], [0], [0], [0, 0, 1, 0], [], []>, transpose_lhs_hint = false} : vector<32x128xf32>, vector<128x128xf32>, vector<32x128xf32> -> vector<32x128xf32>
    %get3A_56 = arith.constant 0 : index
    %get3A_57 = vector.load %arg4[%get3A_56] : memref<384xf32, #tpu.memory_space<vmem>>, vector<128xf32>
    %broadcast_in_dim3A_58 = vector.shape_cast %get3A_57 : vector<128xf32> to vector<1x128xf32>
    %add3A_59 = vector.broadcast %broadcast_in_dim3A_58 : vector<1x128xf32> to vector<32x128xf32>
    %add3A_60 = arith.addf %dot_general3A_55, %add3A_59 : vector<32x128xf32>
    %broadcast_in_dim3A_61 = vector.shape_cast %add3A_60 : vector<32x128xf32> to vector<1x32x128xf32>
    %broadcast_in_dim3A_62 = vector.shape_cast %broadcast_in_dim3A_61 : vector<1x32x128xf32> to vector<1x32x128xf32>
    %broadcast_in_dim3A_63 = vector.broadcast %broadcast_in_dim3A_62 : vector<1x32x128xf32> to vector<8x32x128xf32>
    %reshape3A = vector.shape_cast %broadcast_in_dim3A_63 : vector<8x32x128xf32> to vector<256x128xf32>
    %iota3A = tpu.iota {dimensions = array<i32: 0>} : vector<256x128xi32>
    %iota3A_64 = tpu.iota {dimensions = array<i32: 1>} : vector<256x128xi32>
    %jit3A = arith.constant 16 : i32
    %div3A_65 = vector.broadcast %jit3A : i32 to vector<256x128xi32>
    %div3A_66 = arith.divsi %iota3A_64, %div3A_65 : vector<256x128xi32>
    %sign3A = arith.constant 0 : i32
    %sign3A_67 = vector.broadcast %sign3A : i32 to vector<256x128xi32>
    %sign3A_68 = arith.cmpi sgt, %iota3A_64, %sign3A_67 : vector<256x128xi32>
    %sign3A_69 = arith.extui %sign3A_68 : vector<256x128xi1> to vector<256x128xi32>
    %sign3A_70 = arith.constant 0 : i32
    %sign3A_71 = vector.broadcast %sign3A_70 : i32 to vector<256x128xi32>
    %sign3A_72 = arith.cmpi slt, %iota3A_64, %sign3A_71 : vector<256x128xi32>
    %sign3A_73 = arith.extui %sign3A_72 : vector<256x128xi1> to vector<256x128xi32>
    %sign3A_74 = arith.subi %sign3A_69, %sign3A_73 : vector<256x128xi32>
    %sign3A_75 = arith.constant 0 : i32
    %sign3A_76 = arith.cmpi sgt, %jit3A, %sign3A_75 : i32
    %sign3A_77 = arith.extui %sign3A_76 : i1 to i32
    %sign3A_78 = arith.constant 0 : i32
    %sign3A_79 = arith.cmpi slt, %jit3A, %sign3A_78 : i32
    %sign3A_80 = arith.extui %sign3A_79 : i1 to i32
    %sign3A_81 = arith.subi %sign3A_77, %sign3A_80 : i32
    %ne3A = vector.broadcast %sign3A_81 : i32 to vector<256x128xi32>
    %ne3A_82 = arith.cmpi ne, %sign3A_74, %ne3A : vector<256x128xi32>
    %rem3A = vector.broadcast %jit3A : i32 to vector<256x128xi32>
    %rem3A_83 = arith.remsi %iota3A_64, %rem3A : vector<256x128xi32>
    %ne3A_84 = arith.constant 0 : i32
    %ne3A_85 = vector.broadcast %ne3A_84 : i32 to vector<256x128xi32>
    %ne3A_86 = arith.cmpi ne, %rem3A_83, %ne3A_85 : vector<256x128xi32>
    %and3A = arith.andi %ne3A_82, %ne3A_86 : vector<256x128xi1>
    %sub3A_87 = arith.constant 1 : i32
    %sub3A_88 = vector.broadcast %sub3A_87 : i32 to vector<256x128xi32>
    %sub3A_89 = arith.subi %div3A_66, %sub3A_88 : vector<256x128xi32>
    %select_n3A = arith.select %and3A, %sub3A_89, %div3A_66 : vector<256x128xi1>, vector<256x128xi32>
    %jit3A_90 = arith.constant 32 : i32
    %div3A_91 = vector.broadcast %jit3A_90 : i32 to vector<256x128xi32>
    %div3A_92 = arith.divsi %iota3A, %div3A_91 : vector<256x128xi32>
    %sign3A_93 = arith.constant 0 : i32
    %sign3A_94 = vector.broadcast %sign3A_93 : i32 to vector<256x128xi32>
    %sign3A_95 = arith.cmpi sgt, %iota3A, %sign3A_94 : vector<256x128xi32>
    %sign3A_96 = arith.extui %sign3A_95 : vector<256x128xi1> to vector<256x128xi32>
    %sign3A_97 = arith.constant 0 : i32
    %sign3A_98 = vector.broadcast %sign3A_97 : i32 to vector<256x128xi32>
    %sign3A_99 = arith.cmpi slt, %iota3A, %sign3A_98 : vector<256x128xi32>
    %sign3A_100 = arith.extui %sign3A_99 : vector<256x128xi1> to vector<256x128xi32>
    %sign3A_101 = arith.subi %sign3A_96, %sign3A_100 : vector<256x128xi32>
    %sign3A_102 = arith.constant 0 : i32
    %sign3A_103 = arith.cmpi sgt, %jit3A_90, %sign3A_102 : i32
    %sign3A_104 = arith.extui %sign3A_103 : i1 to i32
    %sign3A_105 = arith.constant 0 : i32
    %sign3A_106 = arith.cmpi slt, %jit3A_90, %sign3A_105 : i32
    %sign3A_107 = arith.extui %sign3A_106 : i1 to i32
    %sign3A_108 = arith.subi %sign3A_104, %sign3A_107 : i32
    %ne3A_109 = vector.broadcast %sign3A_108 : i32 to vector<256x128xi32>
    %ne3A_110 = arith.cmpi ne, %sign3A_101, %ne3A_109 : vector<256x128xi32>
    %rem3A_111 = vector.broadcast %jit3A_90 : i32 to vector<256x128xi32>
    %rem3A_112 = arith.remsi %iota3A, %rem3A_111 : vector<256x128xi32>
    %ne3A_113 = arith.constant 0 : i32
    %ne3A_114 = vector.broadcast %ne3A_113 : i32 to vector<256x128xi32>
    %ne3A_115 = arith.cmpi ne, %rem3A_112, %ne3A_114 : vector<256x128xi32>
    %and3A_116 = arith.andi %ne3A_110, %ne3A_115 : vector<256x128xi1>
    %sub3A_117 = arith.constant 1 : i32
    %sub3A_118 = vector.broadcast %sub3A_117 : i32 to vector<256x128xi32>
    %sub3A_119 = arith.subi %div3A_92, %sub3A_118 : vector<256x128xi32>
    %select_n3A_120 = arith.select %and3A_116, %sub3A_119, %div3A_92 : vector<256x128xi1>, vector<256x128xi32>
    %eq3A = arith.cmpi eq, %select_n3A, %select_n3A_120 : vector<256x128xi32>
    %convert_element_type3A_121 = arith.extui %eq3A : vector<256x128xi1> to vector<256x128xi32>
    %convert_element_type3A_122 = arith.sitofp %convert_element_type3A_121 : vector<256x128xi32> to vector<256x128xf32>
    %mul3A_123 = arith.mulf %reshape3A, %convert_element_type3A_122 : vector<256x128xf32>
    %convert_element_type3A_124 = arith.truncf %mul3A_123 : vector<256x128xf32> to vector<256x128xbf16>
    %convert_element_type3A_125 = arith.truncf %add3A_39 : vector<2048x128xf32> to vector<2048x128xbf16>
    %dot_general3A_126 = arith.constant dense<0.000000e+00> : vector<256x2048xf32>
    %dot_general3A_127 = tpu.matmul %convert_element_type3A_124, %convert_element_type3A_125, %dot_general3A_126 {dimension_numbers = #tpu.dot_dimension_numbers<[1], [1], [0], [0], [0, 0, 1, 0], [], []>, transpose_lhs_hint = false} : vector<256x128xbf16>, vector<2048x128xbf16>, vector<256x2048xf32> -> vector<256x2048xf32>
    %mul3A_128 = arith.constant 2.500000e-01 : f32
    %mul3A_129 = vector.broadcast %mul3A_128 : f32 to vector<256x2048xf32>
    %mul3A_130 = arith.mulf %dot_general3A_127, %mul3A_129 : vector<256x2048xf32>
    %reduce_max3A = arith.constant dense<0xFF800000> : vector<256xf32>
    %reduce_max3A_131 = vector.multi_reduction <maximumf>, %mul3A_130, %reduce_max3A [1] : vector<256x2048xf32> to vector<256xf32>
    %broadcast_in_dim3A_132 = vector.shape_cast %reduce_max3A_131 : vector<256xf32> to vector<256x1xf32>
    %sub3A_133 = vector.broadcast %broadcast_in_dim3A_132 : vector<256x1xf32> to vector<256x2048xf32>
    %sub3A_134 = arith.subf %mul3A_130, %sub3A_133 : vector<256x2048xf32>
    %exp3A = math.exp %sub3A_134 : vector<256x2048xf32>
    %reduce_sum3A_135 = arith.constant dense<0.000000e+00> : vector<256xf32>
    %reduce_sum3A_136 = vector.multi_reduction <add>, %exp3A, %reduce_sum3A_135 [1] : vector<256x2048xf32> to vector<256xf32>
    %broadcast_in_dim3A_137 = vector.shape_cast %reduce_sum3A_136 : vector<256xf32> to vector<256x1xf32>
    %div3A_138 = vector.broadcast %broadcast_in_dim3A_137 : vector<256x1xf32> to vector<256x2048xf32>
    %div3A_139 = arith.divf %exp3A, %div3A_138 : vector<256x2048xf32>
    %convert_element_type3A_140 = arith.truncf %div3A_139 : vector<256x2048xf32> to vector<256x2048xbf16>
    %convert_element_type3A_141 = arith.truncf %add3A_47 : vector<2048x128xf32> to vector<2048x128xbf16>
    %dot_general3A_142 = arith.constant dense<0.000000e+00> : vector<256x128xf32>
    %dot_general3A_143 = tpu.matmul %convert_element_type3A_140, %convert_element_type3A_141, %dot_general3A_142 {dimension_numbers = #tpu.dot_dimension_numbers<[1], [0], [0], [1], [0, 0, 1, 1], [], []>, transpose_lhs_hint = false} : vector<256x2048xbf16>, vector<2048x128xbf16>, vector<256x128xf32> -> vector<256x128xf32>
    %mul3A_144 = arith.mulf %dot_general3A_143, %convert_element_type3A_122 : vector<256x128xf32>
    %reshape3A_145 = vector.shape_cast %mul3A_144 : vector<256x128xf32> to vector<8x32x128xf32>
    %reduce_sum3A_146 = arith.constant dense<0.000000e+00> : vector<32x128xf32>
    %reduce_sum3A_147 = vector.multi_reduction <add>, %reshape3A_145, %reduce_sum3A_146 [0] : vector<8x32x128xf32> to vector<32x128xf32>
    %get3A_148 = arith.constant 0 : index
    %get3A_149 = arith.constant 0 : index
    %get3A_150 = vector.load %arg7[%get3A_148, %get3A_149] : memref<128x128xf32, #tpu.memory_space<vmem>>, vector<128x128xf32>
    %dot_general3A_151 = arith.constant dense<0.000000e+00> : vector<32x128xf32>
    %dot_general3A_152 = tpu.matmul %reduce_sum3A_147, %get3A_150, %dot_general3A_151 {dimension_numbers = #tpu.dot_dimension_numbers<[1], [1], [0], [0], [0, 0, 1, 0], [], []>, transpose_lhs_hint = false} : vector<32x128xf32>, vector<128x128xf32>, vector<32x128xf32> -> vector<32x128xf32>
    %get3A_153 = arith.constant 0 : index
    %get3A_154 = vector.load %arg8[%get3A_153] : memref<128xf32, #tpu.memory_space<vmem>>, vector<128xf32>
    %broadcast_in_dim3A_155 = vector.shape_cast %get3A_154 : vector<128xf32> to vector<1x128xf32>
    %add3A_156 = vector.broadcast %broadcast_in_dim3A_155 : vector<1x128xf32> to vector<32x128xf32>
    %add3A_157 = arith.addf %dot_general3A_152, %add3A_156 : vector<32x128xf32>
    %add3A_158 = arith.addf %get3A_50, %add3A_157 : vector<32x128xf32>
    %reduce_sum3A_159 = arith.constant dense<0.000000e+00> : vector<32xf32>
    %reduce_sum3A_160 = vector.multi_reduction <add>, %add3A_158, %reduce_sum3A_159 [1] : vector<32x128xf32> to vector<32xf32>
    %broadcast_in_dim3A_161 = vector.shape_cast %reduce_sum3A_160 : vector<32xf32> to vector<32x1xf32>
    %div3A_162 = arith.constant 1.280000e+02 : f32
    %div3A_163 = vector.broadcast %div3A_162 : f32 to vector<32x1xf32>
    %div3A_164 = arith.divf %broadcast_in_dim3A_161, %div3A_163 : vector<32x1xf32>
    %sub3A_165 = vector.broadcast %div3A_164 : vector<32x1xf32> to vector<32x128xf32>
    %sub3A_166 = arith.subf %add3A_158, %sub3A_165 : vector<32x128xf32>
    %integer_pow3A_167 = arith.mulf %sub3A_166, %sub3A_166 : vector<32x128xf32>
    %reduce_sum3A_168 = arith.constant dense<0.000000e+00> : vector<32xf32>
    %reduce_sum3A_169 = vector.multi_reduction <add>, %integer_pow3A_167, %reduce_sum3A_168 [1] : vector<32x128xf32> to vector<32xf32>
    %broadcast_in_dim3A_170 = vector.shape_cast %reduce_sum3A_169 : vector<32xf32> to vector<32x1xf32>
    %div3A_171 = arith.constant 1.280000e+02 : f32
    %div3A_172 = vector.broadcast %div3A_171 : f32 to vector<32x1xf32>
    %div3A_173 = arith.divf %broadcast_in_dim3A_170, %div3A_172 : vector<32x1xf32>
    %sub3A_174 = vector.broadcast %div3A_164 : vector<32x1xf32> to vector<32x128xf32>
    %sub3A_175 = arith.subf %add3A_158, %sub3A_174 : vector<32x128xf32>
    %add3A_176 = arith.constant 9.99999974E-6 : f32
    %add3A_177 = vector.broadcast %add3A_176 : f32 to vector<32x1xf32>
    %add3A_178 = arith.addf %div3A_173, %add3A_177 : vector<32x1xf32>
    %rsqrt3A_179 = math.rsqrt %add3A_178 : vector<32x1xf32>
    %mul3A_180 = vector.broadcast %rsqrt3A_179 : vector<32x1xf32> to vector<32x128xf32>
    %mul3A_181 = arith.mulf %sub3A_175, %mul3A_180 : vector<32x128xf32>
    %get3A_182 = arith.constant 0 : index
    %get3A_183 = vector.load %arg9[%get3A_182] : memref<128xf32, #tpu.memory_space<vmem>>, vector<128xf32>
    %broadcast_in_dim3A_184 = vector.shape_cast %get3A_183 : vector<128xf32> to vector<1x128xf32>
    %mul3A_185 = vector.broadcast %broadcast_in_dim3A_184 : vector<1x128xf32> to vector<32x128xf32>
    %mul3A_186 = arith.mulf %mul3A_181, %mul3A_185 : vector<32x128xf32>
    %get3A_187 = arith.constant 0 : index
    %get3A_188 = vector.load %arg10[%get3A_187] : memref<128xf32, #tpu.memory_space<vmem>>, vector<128xf32>
    %broadcast_in_dim3A_189 = vector.shape_cast %get3A_188 : vector<128xf32> to vector<1x128xf32>
    %add3A_190 = vector.broadcast %broadcast_in_dim3A_189 : vector<1x128xf32> to vector<32x128xf32>
    %add3A_191 = arith.addf %mul3A_186, %add3A_190 : vector<32x128xf32>
    %swap3A = arith.constant 0 : index
    %swap3A_192 = arith.constant 0 : index
    %swap3A_193 = arith.constant 0 : index
    %swap3A_194 = vector.load %arg11[%swap3A, %swap3A_192, %swap3A_193] : memref<1x32x128xf32, #tpu.memory_space<vmem>>, vector<1x32x128xf32>
    %swap3A_195 = vector.shape_cast %swap3A_194 : vector<1x32x128xf32> to vector<32x128xf32>
    %swap3A_196 = vector.shape_cast %add3A_191 : vector<32x128xf32> to vector<1x32x128xf32>
    tpu.vector_store %arg11[%swap3A, %swap3A_192, %swap3A_193], %swap3A_196 {strides = array<i32>} : memref<1x32x128xf32, #tpu.memory_space<vmem>>, vector<1x32x128xf32>,
    return
  }
  func.func @transform_0(%arg0: i32) -> (i32, i32) {
    %c0_i32 = arith.constant 0 : i32
    %c0_i32_0 = arith.constant 0 : i32
    return %arg0, %c0_i32 : i32, i32
  }
  func.func @transform_1(%arg0: i32) -> (i32, i32) {
    %c0_i32 = arith.constant 0 : i32
    %c0_i32_0 = arith.constant 0 : i32
    %c0_i32_1 = arith.constant 0 : i32
    return %c0_i32, %c0_i32_0 : i32, i32
  }
  func.func @transform_2(%arg0: i32) -> (i32, i32) {
    %c0_i32 = arith.constant 0 : i32
    %c0_i32_0 = arith.constant 0 : i32
    %c0_i32_1 = arith.constant 0 : i32
    return %c0_i32, %c0_i32_0 : i32, i32
  }
  func.func @transform_3(%arg0: i32) -> i32 {
    %c0_i32 = arith.constant 0 : i32
    %c0_i32_0 = arith.constant 0 : i32
    return %c0_i32 : i32
  }
  func.func @transform_4(%arg0: i32) -> i32 {
    %c0_i32 = arith.constant 0 : i32
    %c0_i32_0 = arith.constant 0 : i32
    return %c0_i32 : i32
  }
  func.func @transform_5(%arg0: i32) -> i32 {
    %c0_i32 = arith.constant 0 : i32
    %c0_i32_0 = arith.constant 0 : i32
    return %c0_i32 : i32
  }
  func.func @transform_6(%arg0: i32) -> (i32, i32) {
    %c0_i32 = arith.constant 0 : i32
    %c0_i32_0 = arith.constant 0 : i32
    %c0_i32_1 = arith.constant 0 : i32
    return %c0_i32, %c0_i32_0 : i32, i32
  }
  func.func @transform_7(%arg0: i32) -> i32 {
    %c0_i32 = arith.constant 0 : i32
    %c0_i32_0 = arith.constant 0 : i32
    return %c0_i32 : i32
  }
  func.func @transform_8(%arg0: i32) -> i32 {
    %c0_i32 = arith.constant 0 : i32
    %c0_i32_0 = arith.constant 0 : i32
    return %c0_i32 : i32
  }
  func.func @transform_9(%arg0: i32) -> i32 {
    %c0_i32 = arith.constant 0 : i32
    %c0_i32_0 = arith.constant 0 : i32
    return %c0_i32 : i32
  }
  func.func @transform_10(%arg0: i32) -> (i32, i32, i32) {
    %c0_i32 = arith.constant 0 : i32
    %c0_i32_0 = arith.constant 0 : i32
    %c0_i32_1 = arith.constant 0 : i32
    return %arg0, %c0_i32, %c0_i32_0 : i32, i32, i32
  }
}

</mosaic_0001>

<sc_bundles>
// kernel: kernel.7.cloned.1.call-start
scs
__scs_entry_jumppad:
0x0: {  	(pc) =	sbr.rel $0x88, $3  }
0x1: {  	(tag) =	ssettag $0x0;
	lr =	simm.s32 $0x1  }
0x2: {  	[smem:$0x3F91] =	sst lr;
	_ =	strace $0xD0000000  }
0x3: {  	_ = 	snop  }
0x4: {  	_ = 	snop  }
0x5: {  	_ = 	snop  }
0x6: {  	_ = 	snop  }
0x7: {  	_ = 	snop  }
__scs_overlays_trampoline_lowered:
0x8: {  	[smem:$0x3FA0] =	sst s0  }
0x9: {  	[smem:$0x3FA1] =	sst s1  }
0xa: {  	[smem:$0x3FA2] =	sst s2  }
0xb: {  	[smem:$0x3FA3] =	sst s3  }
0xc: {  	[smem:$0x3FA4] =	sst s4  }
0xd: {  	[smem:$0x3FA5] =	sst s5  }
0xe: {  	[smem:$0x3FA6] =	sst s6  }
0xf: {  	[smem:$0x3FA7] =	sst s7  }
0x10: {  	[smem:$0x3FA8] =	sst s8  }
0x11: {  	[smem:$0x3FA9] =	sst s9;
	s0 =	simm.s32 @!p0 $0x0  }
0x12: {  	s1 =	sld [smem:$0x3F8F];
	s0 =	simm.s32 @p0 $0x1  }
0x13: {  	[smem:$0x3FAA] =	sst s0;
	s0 =	simm.s32 @!p1 $0x0  }
0x14: {  	s2 =	sld [smem:$0x3F8E];
	s0 =	simm.s32 @p1 $0x1  }
0x15: {  	[smem:$0x3FAB] =	sst s0;
	s0 =	simm.s32 @!p2 $0x0  }
0x16: {  	s3 =	sld [smem:$0x3FDB];
	s0 =	simm.s32 @p2 $0x1  }
0x17: {  	s4 =	simm.s32 $0x1BF5;
	[smem:$0x3FAD] =	sst s0  }
0x18: {  	s0 =	sld [smem:$0x3F90];
	_ =	swait.ge [sflag:s4], $0x0  }
0x19: {  	s7 =	sld [smem:$0x3F91]  }
0x1a: {  	s8 =	sadd.s32 $0xFFFFE003, lr  }
0x1b: {  	s9 =	sadd.s32 $0xFFFFFEF7, lr;
	s5 =	simm.s32 $0xFFFFFFFF;
	p2 =	slt.u32 s8, $0xFFFFF086  }
0x1c: {  	p1 =	slt.u32 s9, $0xF7A;
	s5 =	simm.s32 @!p2 $0x0  }
0x1d: {  	s5 =	simm.s32 @p1 $0x1;
	p0 =	seq.s32 s7, s2  }
0x1e: {  	s7 =	smul.u32 @!p0 $0xF7A, s2;
	p2 =	seq.s32 @!p0 s5, $0x0  }
0x1f: {  	s9 =	smul.u32 $0xF7A, s1;
	s8 =	simm.s32 @!p0 $0x1BF5;
	p2 =	por !p2, p0  }
0x20: {  	[sflag:s8] =	ssyncset.s32 @!p0 $0xFFFFF086;
	s6 =	sadd.s32 @!p0 s3, s7;
	s7 =	simm.s32 @!p0 $0x108  }
0x21: {  	s3 =	sadd.s32 s3, s9;
	s6 =	sadd.s32 @!p0 $0x88, s6;
	s7 =	simm.s32 @p2 $0x1082  }
0x22: {  	[simem:s7], [sflag:s8] =	dma.local @!p0 [hbm:s6], $0xF7A  }
0x23: {  	s9 =	sor.u32 $0xD0000000, s2;
	s6 =	simm.s32 $0x108;
	_ =	swait.ge @!p0 [sflag:s8], $0x0  }
0x24: {  	s3 =	sadd.s32 $0x88, s3;
	s6 =	simm.s32 @!p1 $0x1082;
	[sflag:s4] =	ssyncset.s32 $0xFFFFF086  }
0x25: {  	[simem:s6], [sflag:s4] =	dma.local [hbm:s3], $0xF7A  }
0x26: {  	[smem:$0x3F91] =	sst s1;
	(tag) =	ssettag s2;
	_ =	strace s9  }
0x27: {  	s1 =	sld [smem:$0x3FA1]  }
0x28: {  	s2 =	sld [smem:$0x3FA2]  }
0x29: {  	s4 =	sld [smem:$0x3FA4]  }
0x2a: {  	p0 =	seq.s32 s5, $0x0;
	s5 =	sld [smem:$0x3FA5]  }
0x2b: {  	s6 =	sld [smem:$0x3FA6]  }
0x2c: {  	s7 =	sld [smem:$0x3FA7]  }
0x2d: {  	s3 =	simm.s32 $0x108;
	s8 =	sld [smem:$0x3FA8]  }
0x2e: {  	s3 =	simm.s32 @!p0 $0x1082;
	s9 =	sld [smem:$0x3FA9]  }
0x2f: {  	lr =	sadd.s32 s0, s3;
	s0 =	sld [smem:$0x3FA0]  }
0x30: {  	s3 =	sld [smem:$0x3FA3]  }
0x31: {  	[smem:$0x3FAC] =	sst s10  }
0x32: {  	s10 =	sld [smem:$0x3FAA];
	_ =	sdelay $0x3  }
0x33: {  	p0 =	seq.s32 s10, $0x1;
	s10 =	sld [smem:$0x3FAC];
	_ =	sdelay $0x3  }
0x34: {  	[smem:$0x3FAC] =	sst s10  }
0x35: {  	s10 =	sld [smem:$0x3FAB];
	_ =	sdelay $0x3  }
0x36: {  	p1 =	seq.s32 s10, $0x1;
	s10 =	sld [smem:$0x3FAC];
	_ =	sdelay $0x3  }
0x37: {  	[smem:$0x3FAC] =	sst s10  }
0x38: {  	s10 =	sld [smem:$0x3FAD]  }
0x39: {  	_ = 	snop;
	(pc) =	sbr.ind lr, $3  }
0x3a: {  	_ = 	snop  }
0x3b: {  	_ = 	snop  }
0x3c: {  	p2 =	seq.s32 s10, $0x1;
	s10 =	sld [smem:$0x3FAC]  }
0x3d: {  	_ =	shalt  }
0x3e: {  	_ =	shalt  }
0x3f: {  	_ =	shalt  }
0x40: {  	_ =	shalt  }
0x41: {  	_ =	shalt  }
0x42: {  	_ =	shalt  }
0x43: {  	_ =	shalt  }
0x44: {  	_ =	shalt  }
0x45: {  	_ =	shalt  }
0x46: {  	_ =	shalt  }
0x47: {  	_ =	shalt  }
0x48: {  	_ =	shalt  }
0x49: {  	_ =	shalt  }
0x4a: {  	_ =	shalt  }
0x4b: {  	_ =	shalt  }
0x4c: {  	_ =	shalt  }
0x4d: {  	_ =	shalt  }
0x4e: {  	_ =	shalt  }
0x4f: {  	_ =	shalt  }
0x50: {  	_ =	shalt  }
0x51: {  	_ =	shalt  }
0x52: {  	_ =	shalt  }
0x53: {  	_ =	shalt  }
0x54: {  	_ =	shalt  }
0x55: {  	_ =	shalt  }
0x56: {  	_ =	shalt  }
0x57: {  	_ =	shalt  }
0x58: {  	_ =	shalt  }
0x59: {  	_ =	shalt  }
0x5a: {  	_ =	shalt  }
0x5b: {  	_ =	shalt  }
0x5c: {  	_ =	shalt  }
0x5d: {  	_ =	shalt  }
0x5e: {  	_ =	shalt  }
0x5f: {  	_ =	shalt  }
0x60: {  	_ =	shalt  }
0x61: {  	_ =	shalt  }
0x62: {  	_ =	shalt  }
0x63: {  	_ =	shalt  }
0x64: {  	_ =	shalt  }
0x65: {  	_ =	shalt  }
0x66: {  	_ =	shalt  }
0x67: {  	_ =	shalt  }
0x68: {  	_ =	shalt  }
0x69: {  	_ =	shalt  }
0x6a: {  	_ =	shalt  }
0x6b: {  	_ =	shalt  }
0x6c: {  	_ =	shalt  }
0x6d: {  	_ =	shalt  }
0x6e: {  	_ =	shalt  }
0x6f: {  	_ =	shalt  }
0x70: {  	_ =	shalt  }
0x71: {  	_ =	shalt  }
0x72: {  	_ =	shalt  }
0x73: {  	_ =	shalt  }
0x74: {  	_ =	shalt  }
0x75: {  	_ =	shalt  }
0x76: {  	_ =	shalt  }
0x77: {  	_ =	shalt  }
0x78: {  	_ =	shalt  }
0x79: {  	_ =	shalt  }
0x7a: {  	_ =	shalt  }
0x7b: {  	_ =	shalt  }
0x7c: {  	_ =	shalt  }
0x7d: {  	_ =	shalt  }
0x7e: {  	_ =	shalt  }
0x7f: {  	_ =	shalt  }
0x80: {  	_ =	shalt  }
0x81: {  	_ =	shalt  }
0x82: {  	_ =	shalt  }
0x83: {  	_ =	shalt  }
0x84: {  	_ =	shalt  }
0x85: {  	_ =	shalt  }
0x86: {  	_ =	shalt  }
0x87: {  	_ =	shalt  }
.Lfunc_end0:
.L_simem_size_0:
called_computation_lowered:
.L_overlay_start_0:
0x88: {  	s2 =	sld [smem:$0x3FD9]  }
0x89: {  	s3 =	sld [smem:$0x3FFE];
	_ =	sdelay $0x1  }
0x8a: {  	s1 =	srdreg.scid  }
0x8b: {  	s0 =	sand.u32 $0x1, s1  }
0x8c: {  	s17 =	sshll.u32 s0, $0xA;
	s2 =	sadd.s32 s3, s2  }
0x8d: {  	s2 =	sadd.s32 s2, s17  }
0x8e: {  	[smem:$0x3FB8] =	sst s2  }
0x8f: {  	_ = 	snop  }
0x90: {  	s2 =	sld [smem:$0x3FD0];
	(tm) =	ssettm $0x1  }
0x91: {  	s18 =	sld [smem:$0x3FFB];
	_ =	sdelay $0x3  }
0x92: {  	_ =	strace s18  }
0x93: {  	s3 =	sld [smem:$0x3FFC];
	_ =	sdelay $0x3  }
0x94: {  	_ =	strace s3  }
0x95: {  	s3 =	sld [smem:$0x3FFD];
	_ =	sdelay $0x3  }
0x96: {  	_ =	strace s3  }
0x97: {  	_ =	strace $0x8FFFFFFF  }
0x98: {  	s19 =	sld [smem:$0x3FDB];
	_ =	sdelay $0x1  }
0x99: {  	s4 =	simm.s32 $_scs_section_size  }
0x9a: {  	s5 =	simm.s32 $_size__tile_overlayer_lowered;
	s6 =	simm.s32 $_tile_overlayer_lowered  }
0x9b: {  	s22 =	simm.s32 $0x1BFF;
	s21 =	sshll.u32 s6, $0x1;
	s3 =	sadd.s32 s4, s19  }
0x9c: {  	s7 =	simm.s32 $0x0;
	s20 =	sshll.u32 s5, $0x1;
	s5 =	sadd.s32 s21, s3  }
0x9d: {  	[timem:s7], [sflag:s22] =	dma.local [hbm:s5], s20  }
0x9e: {  	_ =	swait.ge [sflag:s22], s20  }
0x9f: {  	s4 =	ssub.s32 $0x0, s20;
	[sflag:s22] =	ssyncset.done $0x0  }
0xa0: {  	[sflag:s22] =	ssyncadd.s32 s4;
	_ =	sdelay $0x1  }
0xa1: {  	s23 =	simm.s32 $0x1B8B  }
0xa2: {  	_ =	swait.ge [sflag:s23], $0x1  }
0xa3: {  	[sflag:s23] =	ssyncset.done $0x0  }
0xa4: {  	s25 =	simm.s32 $0x1B8E;
	s24 =	sld [smem:$0x3FFE];
	[sflag:s23] =	ssyncadd.s32 $0xFFFFFFFF  }
0xa5: {  	s26 =	simm.s32 $execute0_lowered;
	[smem:$0x3FD2] =	sst s25  }
0xa6: {  	s5 =	sshll.u32 s26, $0x1;
	_ =	strace $0x80000046;
	[dreg:$0x1] =	wrdreg $0xFFFFFFFF  }
0xa7: {  	s28 =	simm.s32 $_size_execute0_lowered;
	s3 =	sadd.s32 s3, s5;
	[dreg:$0x0] =	wrdreg $0x0  }
0xa8: {  	s5 =	sshll.u32 s28, $0x1;
	[dreg:$0x2] =	wrdreg s3  }
0xa9: {  	[dreg:$0x3] =	wrdreg s5  }
0xaa: {  	[dreg:$0x4] =	wrdreg $0xC0  }
0xab: {  	_ =	task [dreg:s7], $0x5FFFF  }
0xac: {  	[dreg:$0x1] =	wrdreg $0xFFFFFFFF  }
0xad: {  	[dreg:$0x0] =	wrdreg $0x60  }
0xae: {  	[dreg:$0x2] =	wrdreg s2  }
0xaf: {  	[dreg:$0x3] =	wrdreg s24  }
0xb0: {  	[dreg:$0x4] =	wrdreg $0x108000  }
0xb1: {  	[dreg:$0x5] =	wrdreg $0x9  }
0xb2: {  	_ =	task.clear_ibuf [dreg:s7], $0x6FFFF;
	_ =	strace $0x90000046  }
0xb3: {  	s29 =	simm.s32 $0x9;
	_ =	strace $0x80000048  }
0xb4: {  	_ =	swait.ge [sflag:s29], $0x1  }
0xb5: {  	[sflag:s29] =	ssyncadd.s32 $0xFFFFFFFF  }
0xb6: {  	_ =	strace $0x90000048  }
0xb7: {  	_ =	sfence  }
0xb8: {  	s30 =	sld [smem:$0x0];
	_ =	sdelay $0x2  }
0xb9: {  	s31 =	sshll.u32 s1, $0xD;
	s1 =	sshrl.u32 s1, $0x2  }
0xba: {  	s3 =	sand.u32 $0x4000, s31;
	s1 =	sadd.s32 s1, s30  }
0xbb: {  	s0 =	sor.u32 s3, s0;
	s1 =	sshll.u32 s1, $0x11  }
0xbc: {  	s0 =	sor.u32 s1, s0  }
0xbd: {  	s0 =	sadd.s32 $0x8F2B, s0  }
0xbe: {  	[sflag:s0] =	ssyncadd.remote.s32 $0x1  }
0xbf: {  	_ =	sfence.sel $0xFFFF  }
0xc0: {  	[dreg:$0x0] =	wrdreg $0xFFFFFFFF;
	(pc) =	sbr.abs _section_cstart, $3  }
0xc1: {  	[dreg:$0x1] =	wrdreg $0xFFFFFFFF  }
0xc2: {  	_ =	task.clear_ibuf [dreg:s7], $0x2FFFF;
	_ =	strace $0x9FFFFFFF  }
0xc3: {  	(tm) =	ssettm $0x7FFFFFFF  }
tec
execute0_lowered:
.L_overlay_start_1:
0x0: {  	(tag) =	ssettag $0x1  }
0x1: {  	s0 =	rddreg [dreg:$0x0]  }
0x2: {  	s1 =	rddreg [dreg:$0x1]  }
0x3: {  	s2 =	rddreg [dreg:$0x2]  }
0x4: {  	s3 =	simm.s32 $0x0;
	s4 =	srdreg.scid;
	s11 =	stileid.u32  }
0x5: {  	s12 =	simm.s32 $0x400;
	s13 =	simm.s32 $0x5;
	s16 =	simm.s32 $0x800  }
0x6: {  	s17 =	simm.s32 $0x4800;
	s19 =	simm.s32 $0x8800;
	s21 =	simm.s32 $0xC800  }
0x7: {  	s22 =	simm.s32 $0x1;
	s23 =	simm.s32 $0x2;
	s28 =	simm.s32 $0x4  }
0x8: {  	s29 =	simm.s32 $0x0;
	[smem:$0x7FF] =	sst s3;
	s6 =	sand.u32 $0x1, s4  }
0x9: {  	s5 =	sshll.u32 s11, $0x1;
	s4 =	sadd.s32 $0x2C00, s1;
	s9 =	sshll.u32 s11, $0x8  }
0xa: {  	s30 =	sshll.u32 s11, $0xD;
	_ =	strace $0x80000047;
	s7 =	sor.u32 s6, s5  }
0xb: {  	s5 =	sadd.s32 $0x4E00, s1;
	s6 =	ssub.s32 $0x2, s6;
	s26 =	sand.u32 $0xC00, s9  }
0xc: {  	s31 =	sadd.s32 s30, s2;
	s8 =	sshll.u32 s7, $0xB;
	s25 =	sshrl.u32 s6, $0x1  }
0xd: {  	s7 =	sshll.u32 s7, $0x4;
	s0 =	sadd.s32 s0, s26;
	s15 =	sshrl.u32 s31, $0x3  }
0xe: {  	s26 =	simm.s32 $0x780;
	s1 =	sadd.s32 s8, s1;
	s7 =	sand.u32 $0x70, s7  }
0xf: {  	s10 =	ssub.s32 s6, s25;
	s25 =	simm.s32 $0x3;
	s6 =	sadd.s32 s7, s0  }
0x10: {  	v1 =	vlaneseq.u32;
	s7 =	sshll.u32 s11, $0x6;
	s8 =	sadd.s32 $0x5200, s1;
	s9 =	sadd.s32 $0x5600, s1  }
0x11: {  	v0 =	vimm.s32 $0x0;
	v1 =	vshrl.u32 v1, $0x3;
	s10 =	smax.u32 s10, $0x1;
	s11 =	simm.s32 $0x80;
	s14 =	sor.u32 $0x1C05, s7  }
.LBB2_1:
0x12: {  	[tilespmem:s3], [sflag:$0x5] =	stream.strided.gather [hbm4b:s6+s11], $0x400, s12, s11, $0x38;
	[tilespmem:$0x12800] =	vst v63  }
0x13: {  	_ =	swait.ge [sflag:s13], $0x400  }
0x14: {  	[sflag:s13] =	ssyncset.done $0x0  }
0x15: {  	[sflag:s13] =	ssyncadd.s32 $0xFFFFFC00  }
0x16: {  	[spmem:s15], [sflag:s14] =	dma.local [hbm:s5], $0x400  }
0x17: {  	_ =	swait.ge [sflag:s13], $0x400  }
0x18: {  	[sflag:s13] =	ssyncset.done $0x0  }
0x19: {  	[sflag:s13] =	ssyncadd.s32 $0xFFFFFC00  }
0x1a: {  	v2 =	vld [tilespmem:s3+$0x0]  }
0x1b: {  	s0 =	simm.s32 $0x1;
	s31 =	simm.s32 $0x0;
	s30 =	simm.s32 $0x0  }
.LBB2_2:
0x1c: {  	p0 =	sne.s32 s0, $0x3F;
	_ =	sdelay $0x2  }
0x1d: {  	v3 =	vsub.s32 $0x0, v2  }
0x1e: {  	s1 =	sand.u32 $0x7, s31;
	v3 =	vmin.u32 v2, v3  }
0x1f: {  	s18 =	sshll.u32 s31, $0x1;
	s20 =	sshll.u32 s1, $0x1;
	vm0 =	vlt.s32 v3, $0x100  }
0x20: {  	s24 =	sand.u32 $0xFFFFFFF0, s18;
	s18 =	sand.u32 $0x40, s18;
	s20 =	sor.u32 s7, s20;
	v3 =	vnsel vm0, $0x100, v3  }
0x21: {  	s1 =	sshll.u32 s1, $0x4;
	s20 =	sadd.s32 s24, s20;
	s24 =	sshll.u32 s31, $0x4;
	vm0 =	vlt.s32 v0, v2;
	v2 =	vadd.s32 $0x108, v3  }
.Ltmp0:
0x22: {  	s18 =	ssub.s32 s20, s18;
	s20 =	sand.u32 $0x3FFFFF80, s24;
	v2 =	vsel vm0, v2, v3;
	(pc) =	sbr.rel @p0 .LBB2_2-.Ltmp0, $4  }
0x23: {  	s31 =	smov.u32 s0;
	s1 =	sor.u32 s1, s20;
	[tilespmem:s30+$0x0] =	vst v2;
	v2 =	vor.u32 s18, v1  }
0x24: {  	s30 =	sadd.s32 $0x10, s30;
	[tilespmem:s1+$0x400] =	vst v2  }
0x25: {  	v2 =	vld [tilespmem:s30+$0x0]  }
0x26: {  	s0 =	sadd.s32 $0x1, s0  }
0x27: {  	_ =	sdelay $0x2  }
0x28: {  	v3 =	vsub.s32 $0x0, v2  }
0x29: {  	s0 =	sand.u32 $0x7, s31;
	v3 =	vmin.u32 v2, v3  }
0x2a: {  	s1 =	sshll.u32 s31, $0x1;
	s18 =	sshll.u32 s0, $0x1;
	vm0 =	vlt.s32 v3, $0x100  }
0x2b: {  	s20 =	sand.u32 $0xFFFFFFF0, s1;
	s18 =	sor.u32 s7, s18;
	v3 =	vnsel vm0, $0x100, v3  }
0x2c: {  	s24 =	sshll.u32 s31, $0x4;
	s1 =	sand.u32 $0x40, s1;
	s18 =	sadd.s32 s20, s18;
	vm15 =	vlt.s32 v0, v2;
	v2 =	vadd.s32 $0x108, v3  }
0x2d: {  	s31 =	sand.u32 $0x3FFFFF80, s24;
	s0 =	sshll.u32 s0, $0x4;
	s1 =	ssub.s32 s18, s1;
	v2 =	vsel vm15, v2, v3  }
0x2e: {  	s0 =	sor.u32 s0, s31;
	[tilespmem:s30+$0x0] =	vst v2;
	v2 =	vor.u32 s1, v1  }
0x2f: {  	[tilespmem:s0+$0x400] =	vst v2  }
0x30: {  	[tilespmem:s16], [sflag:$0x1] =	stream.indirect.gather [hbm4b:s4+s11], $0x80, s3, s11, $0xb8;
	[tilespmem:$0x12800] =	vst v63  }
0x31: {  	_ = 	snop  }
0x32: {  	[tilespmem:s17], [sflag:$0x2] =	stream.indirect.gather [hbm4b:s4+s11], $0x80, s11, s11, $0xb8;
	[tilespmem:$0x12800] =	vst v63  }
0x33: {  	s1 =	simm.s32 $0x100  }
0x34: {  	[tilespmem:s19], [sflag:$0x3] =	stream.indirect.gather [hbm4b:s4+s11], $0x80, s1, s11, $0xb8;
	[tilespmem:$0x12800] =	vst v63  }
0x35: {  	s18 =	simm.s32 $0x180  }
0x36: {  	[tilespmem:s21], [sflag:$0x4] =	stream.indirect.gather [hbm4b:s4+s11], $0x80, s18, s11, $0xb8;
	[tilespmem:$0x12800] =	vst v63  }
0x37: {  	_ =	swait.ge [sflag:s22], $0x4000  }
0x38: {  	[sflag:s22] =	ssyncset.done $0x0  }
0x39: {  	[sflag:s22] =	ssyncadd.s32 $0xFFFFC000  }
0x3a: {  	[spmem:s2] =	stream.indirect.scatter.add.f32 [tilespmem:s16], [sflag:$0x5], $0x80, s12, s11, $0xb8;
	[tilespmem:$0x12800] =	vst v63  }
0x3b: {  	_ =	swait.ge [sflag:s13], $0x4000  }
0x3c: {  	[sflag:s13] =	ssyncset.done $0x0  }
0x3d: {  	[sflag:s13] =	ssyncadd.s32 $0xFFFFC000  }
0x3e: {  	_ =	swait.ge [sflag:s23], $0x4000  }
0x3f: {  	[sflag:s23] =	ssyncset.done $0x0  }
0x40: {  	s20 =	simm.s32 $0x480;
	[sflag:s23] =	ssyncadd.s32 $0xFFFFC000  }
0x41: {  	[spmem:s2] =	stream.indirect.scatter.add.f32 [tilespmem:s17], [sflag:$0x5], $0x80, s20, s11, $0xb8;
	[tilespmem:$0x12800] =	vst v63  }
0x42: {  	_ =	swait.ge [sflag:s13], $0x4000  }
0x43: {  	[sflag:s13] =	ssyncset.done $0x0  }
0x44: {  	[sflag:s13] =	ssyncadd.s32 $0xFFFFC000  }
0x45: {  	_ =	swait.ge [sflag:s25], $0x4000  }
0x46: {  	[sflag:s25] =	ssyncset.done $0x0  }
0x47: {  	s24 =	simm.s32 $0x500;
	[sflag:s25] =	ssyncadd.s32 $0xFFFFC000  }
0x48: {  	[spmem:s2] =	stream.indirect.scatter.add.f32 [tilespmem:s19], [sflag:$0x5], $0x80, s24, s11, $0xb8;
	[tilespmem:$0x12800] =	vst v63  }
0x49: {  	_ =	swait.ge [sflag:s13], $0x4000  }
0x4a: {  	[sflag:s13] =	ssyncset.done $0x0  }
0x4b: {  	[sflag:s13] =	ssyncadd.s32 $0xFFFFC000  }
0x4c: {  	_ =	swait.ge [sflag:s28], $0x4000  }
0x4d: {  	[sflag:s28] =	ssyncset.done $0x0  }
0x4e: {  	s30 =	simm.s32 $0x580;
	[sflag:s28] =	ssyncadd.s32 $0xFFFFC000  }
0x4f: {  	[spmem:s2] =	stream.indirect.scatter.add.f32 [tilespmem:s21], [sflag:$0x5], $0x80, s30, s11, $0xb8;
	[tilespmem:$0x12800] =	vst v63  }
0x50: {  	_ =	swait.ge [sflag:s13], $0x4000  }
0x51: {  	[sflag:s13] =	ssyncset.done $0x0  }
0x52: {  	[sflag:s13] =	ssyncadd.s32 $0xFFFFC000  }
0x53: {  	[hbm:s8], [sflag:s14] =	dma.local [spmem:s15], $0x400  }
0x54: {  	_ =	swait.ge [sflag:s13], $0x400  }
0x55: {  	[sflag:s13] =	ssyncset.done $0x0  }
0x56: {  	[sflag:s13] =	ssyncadd.s32 $0xFFFFFC00  }
0x57: {  	[spmem:s15], [sflag:s14] =	dma.local [hbm:s5], $0x400  }
0x58: {  	_ =	swait.ge [sflag:s13], $0x400  }
0x59: {  	[sflag:s13] =	ssyncset.done $0x0  }
0x5a: {  	s31 =	simm.s32 $0x200;
	[sflag:s13] =	ssyncadd.s32 $0xFFFFFC00  }
0x5b: {  	[tilespmem:s16], [sflag:$0x1] =	stream.indirect.gather [hbm4b:s4+s11], $0x80, s31, s11, $0xb8;
	[tilespmem:$0x12800] =	vst v63  }
0x5c: {  	s1 =	simm.s32 $0x280  }
0x5d: {  	[tilespmem:s17], [sflag:$0x2] =	stream.indirect.gather [hbm4b:s4+s11], $0x80, s1, s11, $0xb8;
	[tilespmem:$0x12800] =	vst v63  }
0x5e: {  	s18 =	simm.s32 $0x300  }
0x5f: {  	[tilespmem:s19], [sflag:$0x3] =	stream.indirect.gather [hbm4b:s4+s11], $0x80, s18, s11, $0xb8;
	[tilespmem:$0x12800] =	vst v63  }
0x60: {  	s20 =	simm.s32 $0x380  }
0x61: {  	[tilespmem:s21], [sflag:$0x4] =	stream.indirect.gather [hbm4b:s4+s11], $0x80, s20, s11, $0xb8;
	[tilespmem:$0x12800] =	vst v63  }
0x62: {  	_ =	swait.ge [sflag:s22], $0x4000  }
0x63: {  	[sflag:s22] =	ssyncset.done $0x0  }
0x64: {  	s24 =	simm.s32 $0x600;
	[sflag:s22] =	ssyncadd.s32 $0xFFFFC000  }
0x65: {  	[spmem:s2] =	stream.indirect.scatter.add.f32 [tilespmem:s16], [sflag:$0x5], $0x80, s24, s11, $0xb8;
	[tilespmem:$0x12800] =	vst v63  }
0x66: {  	_ =	swait.ge [sflag:s13], $0x4000  }
0x67: {  	[sflag:s13] =	ssyncset.done $0x0  }
0x68: {  	[sflag:s13] =	ssyncadd.s32 $0xFFFFC000  }
0x69: {  	_ =	swait.ge [sflag:s23], $0x4000  }
0x6a: {  	[sflag:s23] =	ssyncset.done $0x0  }
0x6b: {  	s30 =	simm.s32 $0x680;
	[sflag:s23] =	ssyncadd.s32 $0xFFFFC000  }
0x6c: {  	[spmem:s2] =	stream.indirect.scatter.add.f32 [tilespmem:s17], [sflag:$0x5], $0x80, s30, s11, $0xb8;
	[tilespmem:$0x12800] =	vst v63  }
0x6d: {  	_ =	swait.ge [sflag:s13], $0x4000  }
0x6e: {  	[sflag:s13] =	ssyncset.done $0x0  }
0x6f: {  	[sflag:s13] =	ssyncadd.s32 $0xFFFFC000  }
0x70: {  	_ =	swait.ge [sflag:s25], $0x4000  }
0x71: {  	[sflag:s25] =	ssyncset.done $0x0  }
0x72: {  	s31 =	simm.s32 $0x700;
	[sflag:s25] =	ssyncadd.s32 $0xFFFFC000  }
0x73: {  	[spmem:s2] =	stream.indirect.scatter.add.f32 [tilespmem:s19], [sflag:$0x5], $0x80, s31, s11, $0xb8;
	[tilespmem:$0x12800] =	vst v63  }
0x74: {  	_ =	swait.ge [sflag:s13], $0x4000  }
0x75: {  	[sflag:s13] =	ssyncset.done $0x0  }
0x76: {  	[sflag:s13] =	ssyncadd.s32 $0xFFFFC000  }
0x77: {  	_ =	swait.ge [sflag:s28], $0x4000  }
0x78: {  	[sflag:s28] =	ssyncset.done $0x0  }
0x79: {  	[sflag:s28] =	ssyncadd.s32 $0xFFFFC000  }
0x7a: {  	[spmem:s2] =	stream.indirect.scatter.add.f32 [tilespmem:s21], [sflag:$0x5], $0x80, s26, s11, $0xb8;
	[tilespmem:$0x12800] =	vst v63  }
0x7b: {  	s29 =	sadd.s32 $0x1, s29;
	_ =	swait.ge [sflag:s13], $0x4000  }
0x7c: {  	p0 =	sne.s32 s29, s10;
	[sflag:s13] =	ssyncset.done $0x0  }
.Ltmp1:
0x7d: {  	[sflag:s13] =	ssyncadd.s32 $0xFFFFC000;
	(pc) =	sbr.rel @p0 .LBB2_1-.Ltmp1, $4  }
0x7e: {  	[hbm:s9], [sflag:s14] =	dma.local [spmem:s15], $0x400  }
0x7f: {  	_ =	swait.ge [sflag:s13], $0x400  }
0x80: {  	[sflag:s13] =	ssyncset.done $0x0  }
0x81: {  	[sflag:s13] =	ssyncadd.s32 $0xFFFFFC00  }
0x82: {  	_ =	sfence.sel $0x180000  }
0x83: {  	[bflag:$0x0] =	sbarrier.arrive $0xFFFF  }
0x84: {  	_ =	strace $0x90000047  }
0x85: {  	s0 =	stileid.u32;
	[bflag:$0x2] =	sbarrier.arrive $0xFFFF  }
0x86: {  	p0 =	sne.s32 s0, $0x0;
	s0 =	rddreg [dreg:$0x3]  }
0x87: {  	s0 =	sadd.s32 @!p0 $0x100000, s0  }
0x88: {  	[sflag:s0] =	ssyncadd.tile.s32 @!p0 $0x1;
	_ =	shalt  }
.Lfunc_end2:
_tile_overlayer_lowered:
.L_overlay_start_2:
0x89: {  	(tag) =	ssettag $0x2  }
0x8a: {  	s0 =	rddreg [dreg:$0x0];
	s2 =	stileid.u32  }
0x8b: {  	s1 =	rddreg [dreg:$0x1];
	p0 =	sne.s32 s2, $0x0  }
0x8c: {  	s3 =	rddreg [dreg:$0x2];
	[bflag:$0x3] =	sbarrier.arrive $0xFFFF;
	s2 =	simm.s32 @!p0 $0x1C05  }
0x8d: {  	[timem:s3], [sflag:s2] =	dma.local @!p0 [hbm:s0], s1  }
0x8e: {  	s0 =	simm.s32 @!p0 $0x5  }
0x8f: {  	_ =	swait.ge @!p0 [sflag:s0], s1  }
0x90: {  	s1 =	ssub.s32 @!p0 $0x0, s1;
	[sflag:s0] =	ssyncset.done @!p0 $0x0  }
0x91: {  	[sflag:s0] =	ssyncadd.s32 @!p0 s1  }
0x92: {  	[bflag:$0x3] =	sbarrier.arrive $0xFFFF  }
0x93: {  	_ =	shalt  }

</sc_bundles>
